<compile_context>
chip_gen: v7x
topology: tpu7x:2x2x1
jax: 0.10.2.dev20260603
libtpu: 0.0.44.dev20260713+nightly
codegen_flags: <defaults>
</compile_context>

<pallas_src>
import functools

import jax
import jax.numpy as jnp
from jax import lax
from jax.experimental import pallas as pl
from jax.experimental.pallas import tpu as pltpu
from jax.experimental.pallas import tpu_sc as plsc

N = 10000
E = 320000
D = 128

NC = 2
NS = 16
NW = NC * NS

NPAD = 10240
RPT = NPAD // NS
CH = 128
EPAD = 323584
EPW = EPAD // NW
NCHUNK = EPW // CH
RCH = RPT // CH

DEGW = 16

_mesh = plsc.VectorSubcoreMesh(core_axis_name="c", subcore_axis_name="s")
_linear = pltpu.CompilerParams(use_tc_tiling_on_sc=False)


@functools.partial(
    pl.kernel,
    out_type=[
        jax.ShapeDtypeStruct((NC, NPAD, DEGW), jnp.float32),
        jax.ShapeDtypeStruct((NC, NPAD, DEGW), jnp.float32),
    ],
    mesh=_mesh,
    compiler_params=_linear,
    scratch_types=[
        pltpu.VMEM((1, CH), jnp.int32),
        pltpu.VMEM((1, CH), jnp.int32),
        pltpu.VMEM((CH, DEGW), jnp.float32),
        pltpu.VMEM((RPT, DEGW), jnp.float32),
        pltpu.VMEM_SHARED((NPAD, DEGW), jnp.float32),
        pltpu.VMEM_SHARED((NPAD, DEGW), jnp.float32),
    ],
)
def _deg_kernel(src_hbm, dst_hbm, ones_hbm, zrow_hbm,
                dego_hbm, degi_hbm,
                sb, db, ob, rb, dego_sh, degi_sh):
    cid = lax.axis_index("c")
    sid = lax.axis_index("s")
    wid = cid * NS + sid
    r0 = sid * RPT

    pltpu.sync_copy(zrow_hbm, rb)
    pltpu.sync_copy(rb, dego_sh.at[pl.ds(r0, RPT)])
    pltpu.sync_copy(rb, degi_sh.at[pl.ds(r0, RPT)])
    pltpu.sync_copy(ones_hbm, ob)
    plsc.subcore_barrier()

    ebase = wid * EPW

    def body(g, carry):
        base = ebase + g * CH
        pltpu.sync_copy(src_hbm.at[pl.ds(base, CH)], sb.at[0])
        pltpu.sync_copy(dst_hbm.at[pl.ds(base, CH)], db.at[0])
        pltpu.sync_copy(ob, dego_sh.at[sb.at[0]], add=True)
        pltpu.sync_copy(ob, degi_sh.at[db.at[0]], add=True)
        return carry

    lax.fori_loop(0, NCHUNK, body, 0)
    plsc.subcore_barrier()

    pltpu.sync_copy(dego_sh.at[pl.ds(r0, RPT)], rb)
    pltpu.sync_copy(rb, dego_hbm.at[cid, pl.ds(r0, RPT)])
    pltpu.sync_copy(degi_sh.at[pl.ds(r0, RPT)], rb)
    pltpu.sync_copy(rb, degi_hbm.at[cid, pl.ds(r0, RPT)])


@functools.partial(
    pl.kernel,
    out_type=jax.ShapeDtypeStruct((NC, NPAD, D), jnp.float32),
    mesh=_mesh,
    scratch_types=[
        pltpu.VMEM((1, CH), jnp.int32),
        pltpu.VMEM((1, CH), jnp.int32),
        pltpu.VMEM((CH, D), jnp.float32),
        pltpu.VMEM_SHARED((NPAD, D), jnp.float32),
        pltpu.SemaphoreType.DMA,
    ],
)
def _agg_kernel(src_hbm, dst_hbm, x_hbm, zc_hbm, out_hbm,
                sb, db, rb, agg_sh, sem):
    cid = lax.axis_index("c")
    sid = lax.axis_index("s")
    wid = cid * NS + sid
    r0 = sid * RPT

    pltpu.sync_copy(zc_hbm, rb)
    for j in range(RCH):
        pltpu.sync_copy(rb, agg_sh.at[pl.ds(r0 + j * CH, CH)])
    plsc.subcore_barrier()

    ebase = wid * EPW

    def body(g, carry):
        base = ebase + g * CH
        pltpu.sync_copy(src_hbm.at[pl.ds(base, CH)], sb.at[0])
        pltpu.sync_copy(dst_hbm.at[pl.ds(base, CH)], db.at[0])
        pltpu.async_copy(x_hbm.at[sb.at[0]], rb, sem).wait()
        pltpu.sync_copy(rb, agg_sh.at[db.at[0]], add=True)
        return carry

    lax.fori_loop(0, NCHUNK, body, 0)
    plsc.subcore_barrier()

    for j in range(RCH):
        pltpu.sync_copy(agg_sh.at[pl.ds(r0 + j * CH, CH)], rb)
        pltpu.sync_copy(rb, out_hbm.at[cid, pl.ds(r0 + j * CH, CH)])


def _rsqrt_deg(d0, d1):
    deg = d0[0, :, 0:1] + d1[0, :, 0:1]
    return lax.rsqrt(jnp.maximum(deg, 1.0))


def _scale_body(h_ref, dego0_ref, dego1_ref, o_ref):
    do = _rsqrt_deg(dego0_ref[...], dego1_ref[...])
    o_ref[...] = h_ref[...] * do


def _layer_body(relu, scale_out, agg0_ref, agg1_ref, degi0_ref, degi1_ref,
                dego0_ref, dego1_ref, w_ref, b_ref, o_ref):
    di = _rsqrt_deg(degi0_ref[...], degi1_ref[...])
    x = (agg0_ref[0] + agg1_ref[0]) * di
    y = jnp.dot(x, w_ref[...], preferred_element_type=jnp.float32) + b_ref[...]
    if relu:
        y = jnp.maximum(y, 0.0)
    if scale_out:
        do = _rsqrt_deg(dego0_ref[...], dego1_ref[...])
        rows = pl.program_id(0) * RPT + lax.broadcasted_iota(
            jnp.int32, (RPT, 1), 0)
        y = jnp.where(rows < N, y * do, 0.0)
    o_ref[...] = y


def _row_spec(width):
    return pl.BlockSpec((RPT, width), lambda i: (i, 0))


def _part_spec(width):
    return pl.BlockSpec((1, RPT, width), lambda i: (0, i, 0))


def _part2_spec(width):
    return pl.BlockSpec((1, RPT, width), lambda i: (1, i, 0))


def _scale_x(h_pad, dego):
    return pl.pallas_call(
        _scale_body,
        grid=(NPAD // RPT,),
        in_specs=[_row_spec(D), _part_spec(DEGW), _part2_spec(DEGW)],
        out_specs=_row_spec(D),
        out_shape=jax.ShapeDtypeStruct((NPAD, D), jnp.float32),
    )(h_pad, dego, dego)


def _layer(agg, degi, dego, w, b, relu, scale_out):
    body = functools.partial(_layer_body, relu, scale_out)
    return pl.pallas_call(
        body,
        grid=(NPAD // RPT,),
        in_specs=[
            _part_spec(D), _part2_spec(D),
            _part_spec(DEGW), _part2_spec(DEGW),
            _part_spec(DEGW), _part2_spec(DEGW),
            pl.BlockSpec((D, D), lambda i: (0, 0)),
            pl.BlockSpec((1, D), lambda i: (0, 0)),
        ],
        out_specs=_row_spec(D),
        out_shape=jax.ShapeDtypeStruct((NPAD, D), jnp.float32),
    )(agg, agg, degi, degi, dego, dego, w, b)


def kernel(h, edge_index, W1, b1, W2, b2):
    src = edge_index[0]
    dst = edge_index[1]
    pad_idx = N + (jnp.arange(EPAD - E, dtype=jnp.int32) % (NPAD - N))
    srcp = jnp.concatenate([src, pad_idx])
    dstp = jnp.concatenate([dst, pad_idx])
    h_pad = jnp.pad(h, ((0, NPAD - N), (0, 0)))

    zc = jnp.zeros((CH, D), jnp.float32)
    ones_w = jnp.ones((CH, DEGW), jnp.float32)
    zrow = jnp.zeros((RPT, DEGW), jnp.float32)
    b1r = b1.reshape(1, D)
    b2r = b2.reshape(1, D)

    dego, degi = _deg_kernel(srcp, dstp, ones_w, zrow)

    x1 = _scale_x(h_pad, dego)
    agg1 = _agg_kernel(srcp, dstp, x1, zc)
    x2 = _layer(agg1, degi, dego, W1, b1r, relu=True, scale_out=True)
    agg2 = _agg_kernel(srcp, dstp, x2, zc)
    out = _layer(agg2, degi, dego, W2, b2r, relu=False, scale_out=False)
    return out[:N]

# --- scband reference (transcript-rebuilt; emitter-appended) ---
"""Pipeline reference for scband-gcn-16252156248489 (READ-ONLY COPY).

The authoritative reference and input builder live on the scoring server;
editing this copy changes nothing except your own understanding.
"""

import jax, jax.numpy as jnp
import numpy as np

N = 10000
E = 320000
D = 128


def setup_inputs(seed: int = 0) -> dict:
    key = jax.random.key(seed)
    k1, k2, k3, k4, k5, k6 = jax.random.split(key, 6)
    h = jax.random.normal(k1, (N, D), dtype=jnp.float32)
    edge_index = jax.random.randint(k2, (2, E), 0, N, dtype=jnp.int32)
    W1 = jax.random.normal(k3, (D, D), dtype=jnp.float32) * 0.05
    b1 = jnp.zeros((D,), dtype=jnp.float32)
    W2 = jax.random.normal(k4, (D, D), dtype=jnp.float32) * 0.05
    b2 = jnp.zeros((D,), dtype=jnp.float32)
    return {"h": h, "edge_index": edge_index, "W1": W1, "b1": b1, "W2": W2, "b2": b2}


def _gcn_layer(h, edge_index, W, b):
    # DGL GraphConv with norm='both':
    #   h_src = h * out_deg^{-1/2}; aggregate sum over edges; * in_deg^{-1/2}; then XW + b
    src = edge_index[0]
    dst = edge_index[1]
    deg_out = jnp.maximum(jnp.bincount(src, length=N).astype(h.dtype), 1.0)
    deg_in = jnp.maximum(jnp.bincount(dst, length=N).astype(h.dtype), 1.0)
    x = h * (deg_out ** -0.5)[:, None]
    msg = jnp.take(x, src, axis=0)
    agg = jax.ops.segment_sum(msg, dst, num_segments=N)
    agg = agg * (deg_in ** -0.5)[:, None]
    return agg @ W + b


def reference(h, edge_index, W1, b1, W2, b2):
    # layer 0 (GraphConv + ReLU; dropout is identity in eval mode)
    h1 = jax.nn.relu(_gcn_layer(h, edge_index, W1, b1))
    # layer 1 (output layer, no activation)
    out = _gcn_layer(h1, edge_index, W2, b2)
    return out

if __name__ == "__main__":
    import jax
    _d = setup_inputs()
    print(jax.jit(kernel)(*tuple(_d.values())))

</pallas_src>

<mosaic_0001>
#map = affine_map<(d0, d1) -> (0)>
#map1 = affine_map<(d0, d1) -> (0, 0)>
#map2 = affine_map<(d0, d1) -> (0, 0, 0)>
module attributes {stable_mosaic.version = 14 : i64} {
  func.func @_deg_kernel(%arg0: i32, %arg1: i32, %arg2: memref<323584xi32, #tpu.memory_space<hbm>>, %arg3: memref<323584xi32, #tpu.memory_space<hbm>>, %arg4: memref<128x16xf32, #tpu.memory_space<hbm>>, %arg5: memref<640x16xf32, #tpu.memory_space<hbm>>, %arg6: memref<2x10240x16xf32, #tpu.memory_space<hbm>>, %arg7: memref<2x10240x16xf32, #tpu.memory_space<hbm>>, %arg8: memref<1x128xi32, #tpu.memory_space<vmem>>, %arg9: memref<1x128xi32, #tpu.memory_space<vmem>>, %arg10: memref<128x16xf32, #tpu.memory_space<vmem>>, %arg11: memref<640x16xf32, #tpu.memory_space<vmem>>, %arg12: memref<10240x16xf32, #tpu.memory_space<vmem_shared>>, %arg13: memref<10240x16xf32, #tpu.memory_space<vmem_shared>>) attributes {dimension_semantics = [#tpu.dimension_semantics<core_parallel>, #tpu.dimension_semantics<subcore_parallel>], iteration_bounds = array<i64: 2, 16>, scalar_prefetch = 0 : i64, scratch_operands = 6 : i64, tpu.core_type = #tpu.core_type<sc_vector_subcore>, window_params = [{transform_indices = #map}, {transform_indices = #map}, {transform_indices = #map1}, {transform_indices = #map1}, {transform_indices = #map2}, {transform_indices = #map2}]} {
    %mul3A = arith.constant 16 : i32
    %mul3A_0 = arith.muli %arg0, %mul3A : i32
    %add3A = arith.addi %mul3A_0, %arg1 : i32
    %mul3A_1 = arith.constant 640 : i32
    %mul3A_2 = arith.muli %arg1, %mul3A_1 : i32
    "tpu.region"() ({
      %run_scoped3A = tpu.sem_alloc : memref<!tpu.dma_semaphore, #tpu.memory_space<semaphore_mem>>
      tpu.enqueue_dma source(%arg5 : memref<640x16xf32, #tpu.memory_space<hbm>>) target(%arg11 : memref<640x16xf32, #tpu.memory_space<vmem>>) target_semaphore(%run_scoped3A : memref<!tpu.dma_semaphore, #tpu.memory_space<semaphore_mem>>)
      tpu.wait_dma2 semaphore(%run_scoped3A : memref<!tpu.dma_semaphore, #tpu.memory_space<semaphore_mem>>) src(%arg5 : memref<640x16xf32, #tpu.memory_space<hbm>>) dst(%arg11 : memref<640x16xf32, #tpu.memory_space<vmem>>)
      tpu.yield
    }) : () -> ()
    "tpu.region"() ({
      %run_scoped3A = tpu.sem_alloc : memref<!tpu.dma_semaphore, #tpu.memory_space<semaphore_mem>>
      %dma_start3A = arith.constant 0 : i32
      %dma_start3A_11 = tpu.memref_slice %arg12[%mul3A_2, %dma_start3A] : memref<10240x16xf32, #tpu.memory_space<vmem_shared>> -> memref<640x16xf32, #tpu.memory_space<vmem_shared>>
      %dma_start3A_12 = arith.constant 0 : i32
      %dma_start3A_13 = tpu.memref_slice %arg12[%mul3A_2, %dma_start3A_12] : memref<10240x16xf32, #tpu.memory_space<vmem_shared>> -> memref<640x16xf32, #tpu.memory_space<vmem_shared>>
      tpu.enqueue_dma source(%arg11 : memref<640x16xf32, #tpu.memory_space<vmem>>) target(%dma_start3A_13 : memref<640x16xf32, #tpu.memory_space<vmem_shared>>) target_semaphore(%run_scoped3A : memref<!tpu.dma_semaphore, #tpu.memory_space<semaphore_mem>>)
      %dma_wait3A = arith.constant 0 : i32
      %dma_wait3A_14 = tpu.memref_slice %arg12[%mul3A_2, %dma_wait3A] : memref<10240x16xf32, #tpu.memory_space<vmem_shared>> -> memref<640x16xf32, #tpu.memory_space<vmem_shared>>
      %dma_wait3A_15 = arith.constant 0 : i32
      %dma_wait3A_16 = tpu.memref_slice %arg12[%mul3A_2, %dma_wait3A_15] : memref<10240x16xf32, #tpu.memory_space<vmem_shared>> -> memref<640x16xf32, #tpu.memory_space<vmem_shared>>
      tpu.wait_dma2 semaphore(%run_scoped3A : memref<!tpu.dma_semaphore, #tpu.memory_space<semaphore_mem>>) src(%arg11 : memref<640x16xf32, #tpu.memory_space<vmem>>) dst(%dma_wait3A_16 : memref<640x16xf32, #tpu.memory_space<vmem_shared>>)
      tpu.yield
    }) : () -> ()
    "tpu.region"() ({
      %run_scoped3A = tpu.sem_alloc : memref<!tpu.dma_semaphore, #tpu.memory_space<semaphore_mem>>
      %dma_start3A = arith.constant 0 : i32
      %dma_start3A_11 = tpu.memref_slice %arg13[%mul3A_2, %dma_start3A] : memref<10240x16xf32, #tpu.memory_space<vmem_shared>> -> memref<640x16xf32, #tpu.memory_space<vmem_shared>>
      %dma_start3A_12 = arith.constant 0 : i32
      %dma_start3A_13 = tpu.memref_slice %arg13[%mul3A_2, %dma_start3A_12] : memref<10240x16xf32, #tpu.memory_space<vmem_shared>> -> memref<640x16xf32, #tpu.memory_space<vmem_shared>>
      tpu.enqueue_dma source(%arg11 : memref<640x16xf32, #tpu.memory_space<vmem>>) target(%dma_start3A_13 : memref<640x16xf32, #tpu.memory_space<vmem_shared>>) target_semaphore(%run_scoped3A : memref<!tpu.dma_semaphore, #tpu.memory_space<semaphore_mem>>)
      %dma_wait3A = arith.constant 0 : i32
      %dma_wait3A_14 = tpu.memref_slice %arg13[%mul3A_2, %dma_wait3A] : memref<10240x16xf32, #tpu.memory_space<vmem_shared>> -> memref<640x16xf32, #tpu.memory_space<vmem_shared>>
      %dma_wait3A_15 = arith.constant 0 : i32
      %dma_wait3A_16 = tpu.memref_slice %arg13[%mul3A_2, %dma_wait3A_15] : memref<10240x16xf32, #tpu.memory_space<vmem_shared>> -> memref<640x16xf32, #tpu.memory_space<vmem_shared>>
      tpu.wait_dma2 semaphore(%run_scoped3A : memref<!tpu.dma_semaphore, #tpu.memory_space<semaphore_mem>>) src(%arg11 : memref<640x16xf32, #tpu.memory_space<vmem>>) dst(%dma_wait3A_16 : memref<640x16xf32, #tpu.memory_space<vmem_shared>>)
      tpu.yield
    }) : () -> ()
    "tpu.region"() ({
      %run_scoped3A = tpu.sem_alloc : memref<!tpu.dma_semaphore, #tpu.memory_space<semaphore_mem>>
      tpu.enqueue_dma source(%arg4 : memref<128x16xf32, #tpu.memory_space<hbm>>) target(%arg10 : memref<128x16xf32, #tpu.memory_space<vmem>>) target_semaphore(%run_scoped3A : memref<!tpu.dma_semaphore, #tpu.memory_space<semaphore_mem>>)
      tpu.wait_dma2 semaphore(%run_scoped3A : memref<!tpu.dma_semaphore, #tpu.memory_space<semaphore_mem>>) src(%arg4 : memref<128x16xf32, #tpu.memory_space<hbm>>) dst(%arg10 : memref<128x16xf32, #tpu.memory_space<vmem>>)
      tpu.yield
    }) : () -> ()
    %barrier3A = arith.constant 0 : index
    tpu.barrier barrier_id(%barrier3A)
    %mul3A_3 = arith.constant 10112 : i32
    %mul3A_4 = arith.muli %add3A, %mul3A_3 : i32
    %scan3A = arith.constant 0 : i32
    %scan3A_5 = arith.constant 0 : i32
    %scan3A_6 = arith.constant 79 : i32
    %scan3A_7 = arith.addi %scan3A_5, %scan3A_6 : i32
    %scan3A_8 = arith.constant 1 : i32
    scf.for %scan3A_11 = %scan3A_5 to %scan3A_7 step %scan3A_8  : i32 {
      %mul3A_12 = arith.constant 128 : i32
      %mul3A_13 = arith.muli %scan3A_11, %mul3A_12 : i32
      %add3A_14 = arith.addi %mul3A_4, %mul3A_13 : i32
      %run_scoped3A = arith.constant 0 : i32
      "tpu.region"() ({
        %run_scoped3A_18 = tpu.sem_alloc : memref<!tpu.dma_semaphore, #tpu.memory_space<semaphore_mem>>
        %dma_start3A = arith.constant 0 : i32
        %dma_start3A_19 = tpu.memref_slice %arg8[%run_scoped3A, %dma_start3A] : memref<1x128xi32, #tpu.memory_space<vmem>> -> memref<1x128xi32, #tpu.memory_space<vmem>>
        %dma_start3A_20 = tpu.memref_squeeze %dma_start3A_19 : memref<1x128xi32, #tpu.memory_space<vmem>> -> memref<128xi32, #tpu.memory_space<vmem>>
        %dma_start3A_21 = tpu.memref_slice %arg2[%add3A_14] : memref<323584xi32, #tpu.memory_space<hbm>> -> memref<128xi32, #tpu.memory_space<hbm>>
        %dma_start3A_22 = arith.constant 0 : i32
        %dma_start3A_23 = tpu.memref_slice %arg8[%run_scoped3A, %dma_start3A_22] : memref<1x128xi32, #tpu.memory_space<vmem>> -> memref<1x128xi32, #tpu.memory_space<vmem>>
        %dma_start3A_24 = tpu.memref_squeeze %dma_start3A_23 : memref<1x128xi32, #tpu.memory_space<vmem>> -> memref<128xi32, #tpu.memory_space<vmem>>
        %dma_start3A_25 = tpu.memref_slice %arg2[%add3A_14] : memref<323584xi32, #tpu.memory_space<hbm>> -> memref<128xi32, #tpu.memory_space<hbm>>
        tpu.enqueue_dma source(%dma_start3A_25 : memref<128xi32, #tpu.memory_space<hbm>>) target(%dma_start3A_24 : memref<128xi32, #tpu.memory_space<vmem>>) target_semaphore(%run_scoped3A_18 : memref<!tpu.dma_semaphore, #tpu.memory_space<semaphore_mem>>)
        %dma_wait3A = arith.constant 0 : i32
        %dma_wait3A_26 = tpu.memref_slice %arg8[%run_scoped3A, %dma_wait3A] : memref<1x128xi32, #tpu.memory_space<vmem>> -> memref<1x128xi32, #tpu.memory_space<vmem>>
        %dma_wait3A_27 = tpu.memref_squeeze %dma_wait3A_26 : memref<1x128xi32, #tpu.memory_space<vmem>> -> memref<128xi32, #tpu.memory_space<vmem>>
        %dma_wait3A_28 = tpu.memref_slice %arg2[%add3A_14] : memref<323584xi32, #tpu.memory_space<hbm>> -> memref<128xi32, #tpu.memory_space<hbm>>
        %dma_wait3A_29 = arith.constant 0 : i32
        %dma_wait3A_30 = tpu.memref_slice %arg8[%run_scoped3A, %dma_wait3A_29] : memref<1x128xi32, #tpu.memory_space<vmem>> -> memref<1x128xi32, #tpu.memory_space<vmem>>
        %dma_wait3A_31 = tpu.memref_squeeze %dma_wait3A_30 : memref<1x128xi32, #tpu.memory_space<vmem>> -> memref<128xi32, #tpu.memory_space<vmem>>
        %dma_wait3A_32 = tpu.memref_slice %arg2[%add3A_14] : memref<323584xi32, #tpu.memory_space<hbm>> -> memref<128xi32, #tpu.memory_space<hbm>>
        tpu.wait_dma2 semaphore(%run_scoped3A_18 : memref<!tpu.dma_semaphore, #tpu.memory_space<semaphore_mem>>) src(%dma_wait3A_32 : memref<128xi32, #tpu.memory_space<hbm>>) dst(%dma_wait3A_31 : memref<128xi32, #tpu.memory_space<vmem>>)
        tpu.yield
      }) : () -> ()
      %run_scoped3A_15 = arith.constant 0 : i32
      "tpu.region"() ({
        %run_scoped3A_18 = tpu.sem_alloc : memref<!tpu.dma_semaphore, #tpu.memory_space<semaphore_mem>>
        %dma_start3A = arith.constant 0 : i32
        %dma_start3A_19 = tpu.memref_slice %arg9[%run_scoped3A_15, %dma_start3A] : memref<1x128xi32, #tpu.memory_space<vmem>> -> memref<1x128xi32, #tpu.memory_space<vmem>>
        %dma_start3A_20 = tpu.memref_squeeze %dma_start3A_19 : memref<1x128xi32, #tpu.memory_space<vmem>> -> memref<128xi32, #tpu.memory_space<vmem>>
        %dma_start3A_21 = tpu.memref_slice %arg3[%add3A_14] : memref<323584xi32, #tpu.memory_space<hbm>> -> memref<128xi32, #tpu.memory_space<hbm>>
        %dma_start3A_22 = arith.constant 0 : i32
        %dma_start3A_23 = tpu.memref_slice %arg9[%run_scoped3A_15, %dma_start3A_22] : memref<1x128xi32, #tpu.memory_space<vmem>> -> memref<1x128xi32, #tpu.memory_space<vmem>>
        %dma_start3A_24 = tpu.memref_squeeze %dma_start3A_23 : memref<1x128xi32, #tpu.memory_space<vmem>> -> memref<128xi32, #tpu.memory_space<vmem>>
        %dma_start3A_25 = tpu.memref_slice %arg3[%add3A_14] : memref<323584xi32, #tpu.memory_space<hbm>> -> memref<128xi32, #tpu.memory_space<hbm>>
        tpu.enqueue_dma source(%dma_start3A_25 : memref<128xi32, #tpu.memory_space<hbm>>) target(%dma_start3A_24 : memref<128xi32, #tpu.memory_space<vmem>>) target_semaphore(%run_scoped3A_18 : memref<!tpu.dma_semaphore, #tpu.memory_space<semaphore_mem>>)
        %dma_wait3A = arith.constant 0 : i32
        %dma_wait3A_26 = tpu.memref_slice %arg9[%run_scoped3A_15, %dma_wait3A] : memref<1x128xi32, #tpu.memory_space<vmem>> -> memref<1x128xi32, #tpu.memory_space<vmem>>
        %dma_wait3A_27 = tpu.memref_squeeze %dma_wait3A_26 : memref<1x128xi32, #tpu.memory_space<vmem>> -> memref<128xi32, #tpu.memory_space<vmem>>
        %dma_wait3A_28 = tpu.memref_slice %arg3[%add3A_14] : memref<323584xi32, #tpu.memory_space<hbm>> -> memref<128xi32, #tpu.memory_space<hbm>>
        %dma_wait3A_29 = arith.constant 0 : i32
        %dma_wait3A_30 = tpu.memref_slice %arg9[%run_scoped3A_15, %dma_wait3A_29] : memref<1x128xi32, #tpu.memory_space<vmem>> -> memref<1x128xi32, #tpu.memory_space<vmem>>
        %dma_wait3A_31 = tpu.memref_squeeze %dma_wait3A_30 : memref<1x128xi32, #tpu.memory_space<vmem>> -> memref<128xi32, #tpu.memory_space<vmem>>
        %dma_wait3A_32 = tpu.memref_slice %arg3[%add3A_14] : memref<323584xi32, #tpu.memory_space<hbm>> -> memref<128xi32, #tpu.memory_space<hbm>>
        tpu.wait_dma2 semaphore(%run_scoped3A_18 : memref<!tpu.dma_semaphore, #tpu.memory_space<semaphore_mem>>) src(%dma_wait3A_32 : memref<128xi32, #tpu.memory_space<hbm>>) dst(%dma_wait3A_31 : memref<128xi32, #tpu.memory_space<vmem>>)
        tpu.yield
      }) : () -> ()
      %run_scoped3A_16 = arith.constant 0 : i32
      "tpu.region"() ({
        %run_scoped3A_18 = tpu.sem_alloc : memref<!tpu.dma_semaphore, #tpu.memory_space<semaphore_mem>>
        %dma_start3A = arith.constant 0 : i32
        %dma_start3A_19 = tpu.memref_slice %arg8[%run_scoped3A_16, %dma_start3A] : memref<1x128xi32, #tpu.memory_space<vmem>> -> memref<1x128xi32, #tpu.memory_space<vmem>>
        %dma_start3A_20 = tpu.memref_squeeze %dma_start3A_19 : memref<1x128xi32, #tpu.memory_space<vmem>> -> memref<128xi32, #tpu.memory_space<vmem>>
        %dma_start3A_21 = arith.constant 0 : i32
        %dma_start3A_22 = arith.constant 0 : i32
        %dma_start3A_23 = tpu.memref_slice %arg12[%dma_start3A_21, %dma_start3A_22] : memref<10240x16xf32, #tpu.memory_space<vmem_shared>> -> memref<10240x16xf32, #tpu.memory_space<vmem_shared>>
        tpu.enqueue_indirect_dma source(%arg10 : memref<128x16xf32, #tpu.memory_space<vmem>>) target(%dma_start3A_23 : memref<10240x16xf32, #tpu.memory_space<vmem_shared>>) offsets(%dma_start3A_20 : memref<128xi32, #tpu.memory_space<vmem>>) semaphore(%run_scoped3A_18 : memref<!tpu.dma_semaphore, #tpu.memory_space<semaphore_mem>>) {add = true}
        %dma_wait3A = arith.constant 0 : i32
        %dma_wait3A_24 = tpu.memref_slice %arg8[%run_scoped3A_16, %dma_wait3A] : memref<1x128xi32, #tpu.memory_space<vmem>> -> memref<1x128xi32, #tpu.memory_space<vmem>>
        %dma_wait3A_25 = tpu.memref_squeeze %dma_wait3A_24 : memref<1x128xi32, #tpu.memory_space<vmem>> -> memref<128xi32, #tpu.memory_space<vmem>>
        %dma_wait3A_26 = arith.constant 0 : i32
        %dma_wait3A_27 = arith.constant 0 : i32
        %dma_wait3A_28 = tpu.memref_slice %arg12[%dma_wait3A_26, %dma_wait3A_27] : memref<10240x16xf32, #tpu.memory_space<vmem_shared>> -> memref<10240x16xf32, #tpu.memory_space<vmem_shared>>
        tpu.wait_indirect_dma semaphore(%run_scoped3A_18 : memref<!tpu.dma_semaphore, #tpu.memory_space<semaphore_mem>>) src(%arg10 : memref<128x16xf32, #tpu.memory_space<vmem>>) dst(%dma_wait3A_28 : memref<10240x16xf32, #tpu.memory_space<vmem_shared>>)
        tpu.yield
      }) : () -> ()
      %run_scoped3A_17 = arith.constant 0 : i32
      "tpu.region"() ({
        %run_scoped3A_18 = tpu.sem_alloc : memref<!tpu.dma_semaphore, #tpu.memory_space<semaphore_mem>>
        %dma_start3A = arith.constant 0 : i32
        %dma_start3A_19 = tpu.memref_slice %arg9[%run_scoped3A_17, %dma_start3A] : memref<1x128xi32, #tpu.memory_space<vmem>> -> memref<1x128xi32, #tpu.memory_space<vmem>>
        %dma_start3A_20 = tpu.memref_squeeze %dma_start3A_19 : memref<1x128xi32, #tpu.memory_space<vmem>> -> memref<128xi32, #tpu.memory_space<vmem>>
        %dma_start3A_21 = arith.constant 0 : i32
        %dma_start3A_22 = arith.constant 0 : i32
        %dma_start3A_23 = tpu.memref_slice %arg13[%dma_start3A_21, %dma_start3A_22] : memref<10240x16xf32, #tpu.memory_space<vmem_shared>> -> memref<10240x16xf32, #tpu.memory_space<vmem_shared>>
        tpu.enqueue_indirect_dma source(%arg10 : memref<128x16xf32, #tpu.memory_space<vmem>>) target(%dma_start3A_23 : memref<10240x16xf32, #tpu.memory_space<vmem_shared>>) offsets(%dma_start3A_20 : memref<128xi32, #tpu.memory_space<vmem>>) semaphore(%run_scoped3A_18 : memref<!tpu.dma_semaphore, #tpu.memory_space<semaphore_mem>>) {add = true}
        %dma_wait3A = arith.constant 0 : i32
        %dma_wait3A_24 = tpu.memref_slice %arg9[%run_scoped3A_17, %dma_wait3A] : memref<1x128xi32, #tpu.memory_space<vmem>> -> memref<1x128xi32, #tpu.memory_space<vmem>>
        %dma_wait3A_25 = tpu.memref_squeeze %dma_wait3A_24 : memref<1x128xi32, #tpu.memory_space<vmem>> -> memref<128xi32, #tpu.memory_space<vmem>>
        %dma_wait3A_26 = arith.constant 0 : i32
        %dma_wait3A_27 = arith.constant 0 : i32
        %dma_wait3A_28 = tpu.memref_slice %arg13[%dma_wait3A_26, %dma_wait3A_27] : memref<10240x16xf32, #tpu.memory_space<vmem_shared>> -> memref<10240x16xf32, #tpu.memory_space<vmem_shared>>
        tpu.wait_indirect_dma semaphore(%run_scoped3A_18 : memref<!tpu.dma_semaphore, #tpu.memory_space<semaphore_mem>>) src(%arg10 : memref<128x16xf32, #tpu.memory_space<vmem>>) dst(%dma_wait3A_28 : memref<10240x16xf32, #tpu.memory_space<vmem_shared>>)
        tpu.yield
      }) : () -> ()
    }
    %scan3A_9 = arith.constant 79 : i32
    %barrier3A_10 = arith.constant 0 : index
    tpu.barrier barrier_id(%barrier3A_10)
    "tpu.region"() ({
      %run_scoped3A = tpu.sem_alloc : memref<!tpu.dma_semaphore, #tpu.memory_space<semaphore_mem>>
      %dma_start3A = arith.constant 0 : i32
      %dma_start3A_11 = tpu.memref_slice %arg12[%mul3A_2, %dma_start3A] : memref<10240x16xf32, #tpu.memory_space<vmem_shared>> -> memref<640x16xf32, #tpu.memory_space<vmem_shared>>
      %dma_start3A_12 = arith.constant 0 : i32
      %dma_start3A_13 = tpu.memref_slice %arg12[%mul3A_2, %dma_start3A_12] : memref<10240x16xf32, #tpu.memory_space<vmem_shared>> -> memref<640x16xf32, #tpu.memory_space<vmem_shared>>
      tpu.enqueue_dma source(%dma_start3A_13 : memref<640x16xf32, #tpu.memory_space<vmem_shared>>) target(%arg11 : memref<640x16xf32, #tpu.memory_space<vmem>>) target_semaphore(%run_scoped3A : memref<!tpu.dma_semaphore, #tpu.memory_space<semaphore_mem>>)
      %dma_wait3A = arith.constant 0 : i32
      %dma_wait3A_14 = tpu.memref_slice %arg12[%mul3A_2, %dma_wait3A] : memref<10240x16xf32, #tpu.memory_space<vmem_shared>> -> memref<640x16xf32, #tpu.memory_space<vmem_shared>>
      %dma_wait3A_15 = arith.constant 0 : i32
      %dma_wait3A_16 = tpu.memref_slice %arg12[%mul3A_2, %dma_wait3A_15] : memref<10240x16xf32, #tpu.memory_space<vmem_shared>> -> memref<640x16xf32, #tpu.memory_space<vmem_shared>>
      tpu.wait_dma2 semaphore(%run_scoped3A : memref<!tpu.dma_semaphore, #tpu.memory_space<semaphore_mem>>) src(%dma_wait3A_16 : memref<640x16xf32, #tpu.memory_space<vmem_shared>>) dst(%arg11 : memref<640x16xf32, #tpu.memory_space<vmem>>)
      tpu.yield
    }) : () -> ()
    "tpu.region"() ({
      %run_scoped3A = tpu.sem_alloc : memref<!tpu.dma_semaphore, #tpu.memory_space<semaphore_mem>>
      %dma_start3A = arith.constant 0 : i32
      %dma_start3A_11 = tpu.memref_slice %arg6[%arg0, %mul3A_2, %dma_start3A] : memref<2x10240x16xf32, #tpu.memory_space<hbm>> -> memref<1x640x16xf32, #tpu.memory_space<hbm>>
      %dma_start3A_12 = tpu.memref_squeeze %dma_start3A_11 : memref<1x640x16xf32, #tpu.memory_space<hbm>> -> memref<640x16xf32, #tpu.memory_space<hbm>>
      %dma_start3A_13 = arith.constant 0 : i32
      %dma_start3A_14 = tpu.memref_slice %arg6[%arg0, %mul3A_2, %dma_start3A_13] : memref<2x10240x16xf32, #tpu.memory_space<hbm>> -> memref<1x640x16xf32, #tpu.memory_space<hbm>>
      %dma_start3A_15 = tpu.memref_squeeze %dma_start3A_14 : memref<1x640x16xf32, #tpu.memory_space<hbm>> -> memref<640x16xf32, #tpu.memory_space<hbm>>
      tpu.enqueue_dma source(%arg11 : memref<640x16xf32, #tpu.memory_space<vmem>>) target(%dma_start3A_15 : memref<640x16xf32, #tpu.memory_space<hbm>>) target_semaphore(%run_scoped3A : memref<!tpu.dma_semaphore, #tpu.memory_space<semaphore_mem>>)
      %dma_wait3A = arith.constant 0 : i32
      %dma_wait3A_16 = tpu.memref_slice %arg6[%arg0, %mul3A_2, %dma_wait3A] : memref<2x10240x16xf32, #tpu.memory_space<hbm>> -> memref<1x640x16xf32, #tpu.memory_space<hbm>>
      %dma_wait3A_17 = tpu.memref_squeeze %dma_wait3A_16 : memref<1x640x16xf32, #tpu.memory_space<hbm>> -> memref<640x16xf32, #tpu.memory_space<hbm>>
      %dma_wait3A_18 = arith.constant 0 : i32
      %dma_wait3A_19 = tpu.memref_slice %arg6[%arg0, %mul3A_2, %dma_wait3A_18] : memref<2x10240x16xf32, #tpu.memory_space<hbm>> -> memref<1x640x16xf32, #tpu.memory_space<hbm>>
      %dma_wait3A_20 = tpu.memref_squeeze %dma_wait3A_19 : memref<1x640x16xf32, #tpu.memory_space<hbm>> -> memref<640x16xf32, #tpu.memory_space<hbm>>
      tpu.wait_dma2 semaphore(%run_scoped3A : memref<!tpu.dma_semaphore, #tpu.memory_space<semaphore_mem>>) src(%arg11 : memref<640x16xf32, #tpu.memory_space<vmem>>) dst(%dma_wait3A_20 : memref<640x16xf32, #tpu.memory_space<hbm>>)
      tpu.yield
    }) : () -> ()
    "tpu.region"() ({
      %run_scoped3A = tpu.sem_alloc : memref<!tpu.dma_semaphore, #tpu.memory_space<semaphore_mem>>
      %dma_start3A = arith.constant 0 : i32
      %dma_start3A_11 = tpu.memref_slice %arg13[%mul3A_2, %dma_start3A] : memref<10240x16xf32, #tpu.memory_space<vmem_shared>> -> memref<640x16xf32, #tpu.memory_space<vmem_shared>>
      %dma_start3A_12 = arith.constant 0 : i32
      %dma_start3A_13 = tpu.memref_slice %arg13[%mul3A_2, %dma_start3A_12] : memref<10240x16xf32, #tpu.memory_space<vmem_shared>> -> memref<640x16xf32, #tpu.memory_space<vmem_shared>>
      tpu.enqueue_dma source(%dma_start3A_13 : memref<640x16xf32, #tpu.memory_space<vmem_shared>>) target(%arg11 : memref<640x16xf32, #tpu.memory_space<vmem>>) target_semaphore(%run_scoped3A : memref<!tpu.dma_semaphore, #tpu.memory_space<semaphore_mem>>)
      %dma_wait3A = arith.constant 0 : i32
      %dma_wait3A_14 = tpu.memref_slice %arg13[%mul3A_2, %dma_wait3A] : memref<10240x16xf32, #tpu.memory_space<vmem_shared>> -> memref<640x16xf32, #tpu.memory_space<vmem_shared>>
      %dma_wait3A_15 = arith.constant 0 : i32
      %dma_wait3A_16 = tpu.memref_slice %arg13[%mul3A_2, %dma_wait3A_15] : memref<10240x16xf32, #tpu.memory_space<vmem_shared>> -> memref<640x16xf32, #tpu.memory_space<vmem_shared>>
      tpu.wait_dma2 semaphore(%run_scoped3A : memref<!tpu.dma_semaphore, #tpu.memory_space<semaphore_mem>>) src(%dma_wait3A_16 : memref<640x16xf32, #tpu.memory_space<vmem_shared>>) dst(%arg11 : memref<640x16xf32, #tpu.memory_space<vmem>>)
      tpu.yield
    }) : () -> ()
    "tpu.region"() ({
      %run_scoped3A = tpu.sem_alloc : memref<!tpu.dma_semaphore, #tpu.memory_space<semaphore_mem>>
      %dma_start3A = arith.constant 0 : i32
      %dma_start3A_11 = tpu.memref_slice %arg7[%arg0, %mul3A_2, %dma_start3A] : memref<2x10240x16xf32, #tpu.memory_space<hbm>> -> memref<1x640x16xf32, #tpu.memory_space<hbm>>
      %dma_start3A_12 = tpu.memref_squeeze %dma_start3A_11 : memref<1x640x16xf32, #tpu.memory_space<hbm>> -> memref<640x16xf32, #tpu.memory_space<hbm>>
      %dma_start3A_13 = arith.constant 0 : i32
      %dma_start3A_14 = tpu.memref_slice %arg7[%arg0, %mul3A_2, %dma_start3A_13] : memref<2x10240x16xf32, #tpu.memory_space<hbm>> -> memref<1x640x16xf32, #tpu.memory_space<hbm>>
      %dma_start3A_15 = tpu.memref_squeeze %dma_start3A_14 : memref<1x640x16xf32, #tpu.memory_space<hbm>> -> memref<640x16xf32, #tpu.memory_space<hbm>>
      tpu.enqueue_dma source(%arg11 : memref<640x16xf32, #tpu.memory_space<vmem>>) target(%dma_start3A_15 : memref<640x16xf32, #tpu.memory_space<hbm>>) target_semaphore(%run_scoped3A : memref<!tpu.dma_semaphore, #tpu.memory_space<semaphore_mem>>)
      %dma_wait3A = arith.constant 0 : i32
      %dma_wait3A_16 = tpu.memref_slice %arg7[%arg0, %mul3A_2, %dma_wait3A] : memref<2x10240x16xf32, #tpu.memory_space<hbm>> -> memref<1x640x16xf32, #tpu.memory_space<hbm>>
      %dma_wait3A_17 = tpu.memref_squeeze %dma_wait3A_16 : memref<1x640x16xf32, #tpu.memory_space<hbm>> -> memref<640x16xf32, #tpu.memory_space<hbm>>
      %dma_wait3A_18 = arith.constant 0 : i32
      %dma_wait3A_19 = tpu.memref_slice %arg7[%arg0, %mul3A_2, %dma_wait3A_18] : memref<2x10240x16xf32, #tpu.memory_space<hbm>> -> memref<1x640x16xf32, #tpu.memory_space<hbm>>
      %dma_wait3A_20 = tpu.memref_squeeze %dma_wait3A_19 : memref<1x640x16xf32, #tpu.memory_space<hbm>> -> memref<640x16xf32, #tpu.memory_space<hbm>>
      tpu.wait_dma2 semaphore(%run_scoped3A : memref<!tpu.dma_semaphore, #tpu.memory_space<semaphore_mem>>) src(%arg11 : memref<640x16xf32, #tpu.memory_space<vmem>>) dst(%dma_wait3A_20 : memref<640x16xf32, #tpu.memory_space<hbm>>)
      tpu.yield
    }) : () -> ()
    return
  }
}

#map = affine_map<(d0, d1) -> (0)>
#map1 = affine_map<(d0, d1) -> (0, 0)>
#map2 = affine_map<(d0, d1) -> (0, 0, 0)>
module attributes {stable_mosaic.version = 14 : i64} {
  func.func @_agg_kernel(%arg0: i32, %arg1: i32, %arg2: memref<323584xi32, #tpu.memory_space<hbm>>, %arg3: memref<323584xi32, #tpu.memory_space<hbm>>, %arg4: memref<10240x128xf32, #tpu.memory_space<hbm>>, %arg5: memref<128x128xf32, #tpu.memory_space<hbm>>, %arg6: memref<2x10240x128xf32, #tpu.memory_space<hbm>>, %arg7: memref<1x128xi32, #tpu.memory_space<vmem>>, %arg8: memref<1x128xi32, #tpu.memory_space<vmem>>, %arg9: memref<128x128xf32, #tpu.memory_space<vmem>>, %arg10: memref<10240x128xf32, #tpu.memory_space<vmem_shared>>, %arg11: memref<!tpu.dma_semaphore, #tpu.memory_space<semaphore_mem>>) attributes {dimension_semantics = [#tpu.dimension_semantics<core_parallel>, #tpu.dimension_semantics<subcore_parallel>], iteration_bounds = array<i64: 2, 16>, scalar_prefetch = 0 : i64, scratch_operands = 5 : i64, tpu.core_type = #tpu.core_type<sc_vector_subcore>, window_params = [{transform_indices = #map}, {transform_indices = #map}, {transform_indices = #map1}, {transform_indices = #map1}, {transform_indices = #map2}]} {
    %mul3A = arith.constant 16 : i32
    %mul3A_0 = arith.muli %arg0, %mul3A : i32
    %add3A = arith.addi %mul3A_0, %arg1 : i32
    %mul3A_1 = arith.constant 640 : i32
    %mul3A_2 = arith.muli %arg1, %mul3A_1 : i32
    "tpu.region"() ({
      %run_scoped3A = tpu.sem_alloc : memref<!tpu.dma_semaphore, #tpu.memory_space<semaphore_mem>>
      tpu.enqueue_dma source(%arg5 : memref<128x128xf32, #tpu.memory_space<hbm>>) target(%arg9 : memref<128x128xf32, #tpu.memory_space<vmem>>) target_semaphore(%run_scoped3A : memref<!tpu.dma_semaphore, #tpu.memory_space<semaphore_mem>>)
      tpu.wait_dma2 semaphore(%run_scoped3A : memref<!tpu.dma_semaphore, #tpu.memory_space<semaphore_mem>>) src(%arg5 : memref<128x128xf32, #tpu.memory_space<hbm>>) dst(%arg9 : memref<128x128xf32, #tpu.memory_space<vmem>>)
      tpu.yield
    }) : () -> ()
    %add3A_3 = arith.constant 0 : i32
    %add3A_4 = arith.addi %mul3A_2, %add3A_3 : i32
    "tpu.region"() ({
      %run_scoped3A = tpu.sem_alloc : memref<!tpu.dma_semaphore, #tpu.memory_space<semaphore_mem>>
      %dma_start3A = arith.constant 0 : i32
      %dma_start3A_41 = tpu.memref_slice %arg10[%add3A_4, %dma_start3A] : memref<10240x128xf32, #tpu.memory_space<vmem_shared>> -> memref<128x128xf32, #tpu.memory_space<vmem_shared>>
      %dma_start3A_42 = arith.constant 0 : i32
      %dma_start3A_43 = tpu.memref_slice %arg10[%add3A_4, %dma_start3A_42] : memref<10240x128xf32, #tpu.memory_space<vmem_shared>> -> memref<128x128xf32, #tpu.memory_space<vmem_shared>>
      tpu.enqueue_dma source(%arg9 : memref<128x128xf32, #tpu.memory_space<vmem>>) target(%dma_start3A_43 : memref<128x128xf32, #tpu.memory_space<vmem_shared>>) target_semaphore(%run_scoped3A : memref<!tpu.dma_semaphore, #tpu.memory_space<semaphore_mem>>)
      %dma_wait3A = arith.constant 0 : i32
      %dma_wait3A_44 = tpu.memref_slice %arg10[%add3A_4, %dma_wait3A] : memref<10240x128xf32, #tpu.memory_space<vmem_shared>> -> memref<128x128xf32, #tpu.memory_space<vmem_shared>>
      %dma_wait3A_45 = arith.constant 0 : i32
      %dma_wait3A_46 = tpu.memref_slice %arg10[%add3A_4, %dma_wait3A_45] : memref<10240x128xf32, #tpu.memory_space<vmem_shared>> -> memref<128x128xf32, #tpu.memory_space<vmem_shared>>
      tpu.wait_dma2 semaphore(%run_scoped3A : memref<!tpu.dma_semaphore, #tpu.memory_space<semaphore_mem>>) src(%arg9 : memref<128x128xf32, #tpu.memory_space<vmem>>) dst(%dma_wait3A_46 : memref<128x128xf32, #tpu.memory_space<vmem_shared>>)
      tpu.yield
    }) : () -> ()
    %add3A_5 = arith.constant 128 : i32
    %add3A_6 = arith.addi %mul3A_2, %add3A_5 : i32
    "tpu.region"() ({
      %run_scoped3A = tpu.sem_alloc : memref<!tpu.dma_semaphore, #tpu.memory_space<semaphore_mem>>
      %dma_start3A = arith.constant 0 : i32
      %dma_start3A_41 = tpu.memref_slice %arg10[%add3A_6, %dma_start3A] : memref<10240x128xf32, #tpu.memory_space<vmem_shared>> -> memref<128x128xf32, #tpu.memory_space<vmem_shared>>
      %dma_start3A_42 = arith.constant 0 : i32
      %dma_start3A_43 = tpu.memref_slice %arg10[%add3A_6, %dma_start3A_42] : memref<10240x128xf32, #tpu.memory_space<vmem_shared>> -> memref<128x128xf32, #tpu.memory_space<vmem_shared>>
      tpu.enqueue_dma source(%arg9 : memref<128x128xf32, #tpu.memory_space<vmem>>) target(%dma_start3A_43 : memref<128x128xf32, #tpu.memory_space<vmem_shared>>) target_semaphore(%run_scoped3A : memref<!tpu.dma_semaphore, #tpu.memory_space<semaphore_mem>>)
      %dma_wait3A = arith.constant 0 : i32
      %dma_wait3A_44 = tpu.memref_slice %arg10[%add3A_6, %dma_wait3A] : memref<10240x128xf32, #tpu.memory_space<vmem_shared>> -> memref<128x128xf32, #tpu.memory_space<vmem_shared>>
      %dma_wait3A_45 = arith.constant 0 : i32
      %dma_wait3A_46 = tpu.memref_slice %arg10[%add3A_6, %dma_wait3A_45] : memref<10240x128xf32, #tpu.memory_space<vmem_shared>> -> memref<128x128xf32, #tpu.memory_space<vmem_shared>>
      tpu.wait_dma2 semaphore(%run_scoped3A : memref<!tpu.dma_semaphore, #tpu.memory_space<semaphore_mem>>) src(%arg9 : memref<128x128xf32, #tpu.memory_space<vmem>>) dst(%dma_wait3A_46 : memref<128x128xf32, #tpu.memory_space<vmem_shared>>)
      tpu.yield
    }) : () -> ()
    %add3A_7 = arith.constant 256 : i32
    %add3A_8 = arith.addi %mul3A_2, %add3A_7 : i32
    "tpu.region"() ({
      %run_scoped3A = tpu.sem_alloc : memref<!tpu.dma_semaphore, #tpu.memory_space<semaphore_mem>>
      %dma_start3A = arith.constant 0 : i32
      %dma_start3A_41 = tpu.memref_slice %arg10[%add3A_8, %dma_start3A] : memref<10240x128xf32, #tpu.memory_space<vmem_shared>> -> memref<128x128xf32, #tpu.memory_space<vmem_shared>>
      %dma_start3A_42 = arith.constant 0 : i32
      %dma_start3A_43 = tpu.memref_slice %arg10[%add3A_8, %dma_start3A_42] : memref<10240x128xf32, #tpu.memory_space<vmem_shared>> -> memref<128x128xf32, #tpu.memory_space<vmem_shared>>
      tpu.enqueue_dma source(%arg9 : memref<128x128xf32, #tpu.memory_space<vmem>>) target(%dma_start3A_43 : memref<128x128xf32, #tpu.memory_space<vmem_shared>>) target_semaphore(%run_scoped3A : memref<!tpu.dma_semaphore, #tpu.memory_space<semaphore_mem>>)
      %dma_wait3A = arith.constant 0 : i32
      %dma_wait3A_44 = tpu.memref_slice %arg10[%add3A_8, %dma_wait3A] : memref<10240x128xf32, #tpu.memory_space<vmem_shared>> -> memref<128x128xf32, #tpu.memory_space<vmem_shared>>
      %dma_wait3A_45 = arith.constant 0 : i32
      %dma_wait3A_46 = tpu.memref_slice %arg10[%add3A_8, %dma_wait3A_45] : memref<10240x128xf32, #tpu.memory_space<vmem_shared>> -> memref<128x128xf32, #tpu.memory_space<vmem_shared>>
      tpu.wait_dma2 semaphore(%run_scoped3A : memref<!tpu.dma_semaphore, #tpu.memory_space<semaphore_mem>>) src(%arg9 : memref<128x128xf32, #tpu.memory_space<vmem>>) dst(%dma_wait3A_46 : memref<128x128xf32, #tpu.memory_space<vmem_shared>>)
      tpu.yield
    }) : () -> ()
    %add3A_9 = arith.constant 384 : i32
    %add3A_10 = arith.addi %mul3A_2, %add3A_9 : i32
    "tpu.region"() ({
      %run_scoped3A = tpu.sem_alloc : memref<!tpu.dma_semaphore, #tpu.memory_space<semaphore_mem>>
      %dma_start3A = arith.constant 0 : i32
      %dma_start3A_41 = tpu.memref_slice %arg10[%add3A_10, %dma_start3A] : memref<10240x128xf32, #tpu.memory_space<vmem_shared>> -> memref<128x128xf32, #tpu.memory_space<vmem_shared>>
      %dma_start3A_42 = arith.constant 0 : i32
      %dma_start3A_43 = tpu.memref_slice %arg10[%add3A_10, %dma_start3A_42] : memref<10240x128xf32, #tpu.memory_space<vmem_shared>> -> memref<128x128xf32, #tpu.memory_space<vmem_shared>>
      tpu.enqueue_dma source(%arg9 : memref<128x128xf32, #tpu.memory_space<vmem>>) target(%dma_start3A_43 : memref<128x128xf32, #tpu.memory_space<vmem_shared>>) target_semaphore(%run_scoped3A : memref<!tpu.dma_semaphore, #tpu.memory_space<semaphore_mem>>)
      %dma_wait3A = arith.constant 0 : i32
      %dma_wait3A_44 = tpu.memref_slice %arg10[%add3A_10, %dma_wait3A] : memref<10240x128xf32, #tpu.memory_space<vmem_shared>> -> memref<128x128xf32, #tpu.memory_space<vmem_shared>>
      %dma_wait3A_45 = arith.constant 0 : i32
      %dma_wait3A_46 = tpu.memref_slice %arg10[%add3A_10, %dma_wait3A_45] : memref<10240x128xf32, #tpu.memory_space<vmem_shared>> -> memref<128x128xf32, #tpu.memory_space<vmem_shared>>
      tpu.wait_dma2 semaphore(%run_scoped3A : memref<!tpu.dma_semaphore, #tpu.memory_space<semaphore_mem>>) src(%arg9 : memref<128x128xf32, #tpu.memory_space<vmem>>) dst(%dma_wait3A_46 : memref<128x128xf32, #tpu.memory_space<vmem_shared>>)
      tpu.yield
    }) : () -> ()
    %add3A_11 = arith.constant 512 : i32
    %add3A_12 = arith.addi %mul3A_2, %add3A_11 : i32
    "tpu.region"() ({
      %run_scoped3A = tpu.sem_alloc : memref<!tpu.dma_semaphore, #tpu.memory_space<semaphore_mem>>
      %dma_start3A = arith.constant 0 : i32
      %dma_start3A_41 = tpu.memref_slice %arg10[%add3A_12, %dma_start3A] : memref<10240x128xf32, #tpu.memory_space<vmem_shared>> -> memref<128x128xf32, #tpu.memory_space<vmem_shared>>
      %dma_start3A_42 = arith.constant 0 : i32
      %dma_start3A_43 = tpu.memref_slice %arg10[%add3A_12, %dma_start3A_42] : memref<10240x128xf32, #tpu.memory_space<vmem_shared>> -> memref<128x128xf32, #tpu.memory_space<vmem_shared>>
      tpu.enqueue_dma source(%arg9 : memref<128x128xf32, #tpu.memory_space<vmem>>) target(%dma_start3A_43 : memref<128x128xf32, #tpu.memory_space<vmem_shared>>) target_semaphore(%run_scoped3A : memref<!tpu.dma_semaphore, #tpu.memory_space<semaphore_mem>>)
      %dma_wait3A = arith.constant 0 : i32
      %dma_wait3A_44 = tpu.memref_slice %arg10[%add3A_12, %dma_wait3A] : memref<10240x128xf32, #tpu.memory_space<vmem_shared>> -> memref<128x128xf32, #tpu.memory_space<vmem_shared>>
      %dma_wait3A_45 = arith.constant 0 : i32
      %dma_wait3A_46 = tpu.memref_slice %arg10[%add3A_12, %dma_wait3A_45] : memref<10240x128xf32, #tpu.memory_space<vmem_shared>> -> memref<128x128xf32, #tpu.memory_space<vmem_shared>>
      tpu.wait_dma2 semaphore(%run_scoped3A : memref<!tpu.dma_semaphore, #tpu.memory_space<semaphore_mem>>) src(%arg9 : memref<128x128xf32, #tpu.memory_space<vmem>>) dst(%dma_wait3A_46 : memref<128x128xf32, #tpu.memory_space<vmem_shared>>)
      tpu.yield
    }) : () -> ()
    %barrier3A = arith.constant 0 : index
    tpu.barrier barrier_id(%barrier3A)
    %mul3A_13 = arith.constant 10112 : i32
    %mul3A_14 = arith.muli %add3A, %mul3A_13 : i32
    %scan3A = arith.constant 0 : i32
    %scan3A_15 = arith.constant 0 : i32
    %scan3A_16 = arith.constant 79 : i32
    %scan3A_17 = arith.addi %scan3A_15, %scan3A_16 : i32
    %scan3A_18 = arith.constant 1 : i32
    scf.for %scan3A_41 = %scan3A_15 to %scan3A_17 step %scan3A_18  : i32 {
      %mul3A_42 = arith.constant 128 : i32
      %mul3A_43 = arith.muli %scan3A_41, %mul3A_42 : i32
      %add3A_44 = arith.addi %mul3A_14, %mul3A_43 : i32
      %run_scoped3A = arith.constant 0 : i32
      "tpu.region"() ({
        %run_scoped3A_59 = tpu.sem_alloc : memref<!tpu.dma_semaphore, #tpu.memory_space<semaphore_mem>>
        %dma_start3A_60 = arith.constant 0 : i32
        %dma_start3A_61 = tpu.memref_slice %arg7[%run_scoped3A, %dma_start3A_60] : memref<1x128xi32, #tpu.memory_space<vmem>> -> memref<1x128xi32, #tpu.memory_space<vmem>>
        %dma_start3A_62 = tpu.memref_squeeze %dma_start3A_61 : memref<1x128xi32, #tpu.memory_space<vmem>> -> memref<128xi32, #tpu.memory_space<vmem>>
        %dma_start3A_63 = tpu.memref_slice %arg2[%add3A_44] : memref<323584xi32, #tpu.memory_space<hbm>> -> memref<128xi32, #tpu.memory_space<hbm>>
        %dma_start3A_64 = arith.constant 0 : i32
        %dma_start3A_65 = tpu.memref_slice %arg7[%run_scoped3A, %dma_start3A_64] : memref<1x128xi32, #tpu.memory_space<vmem>> -> memref<1x128xi32, #tpu.memory_space<vmem>>
        %dma_start3A_66 = tpu.memref_squeeze %dma_start3A_65 : memref<1x128xi32, #tpu.memory_space<vmem>> -> memref<128xi32, #tpu.memory_space<vmem>>
        %dma_start3A_67 = tpu.memref_slice %arg2[%add3A_44] : memref<323584xi32, #tpu.memory_space<hbm>> -> memref<128xi32, #tpu.memory_space<hbm>>
        tpu.enqueue_dma source(%dma_start3A_67 : memref<128xi32, #tpu.memory_space<hbm>>) target(%dma_start3A_66 : memref<128xi32, #tpu.memory_space<vmem>>) target_semaphore(%run_scoped3A_59 : memref<!tpu.dma_semaphore, #tpu.memory_space<semaphore_mem>>)
        %dma_wait3A_68 = arith.constant 0 : i32
        %dma_wait3A_69 = tpu.memref_slice %arg7[%run_scoped3A, %dma_wait3A_68] : memref<1x128xi32, #tpu.memory_space<vmem>> -> memref<1x128xi32, #tpu.memory_space<vmem>>
        %dma_wait3A_70 = tpu.memref_squeeze %dma_wait3A_69 : memref<1x128xi32, #tpu.memory_space<vmem>> -> memref<128xi32, #tpu.memory_space<vmem>>
        %dma_wait3A_71 = tpu.memref_slice %arg2[%add3A_44] : memref<323584xi32, #tpu.memory_space<hbm>> -> memref<128xi32, #tpu.memory_space<hbm>>
        %dma_wait3A_72 = arith.constant 0 : i32
        %dma_wait3A_73 = tpu.memref_slice %arg7[%run_scoped3A, %dma_wait3A_72] : memref<1x128xi32, #tpu.memory_space<vmem>> -> memref<1x128xi32, #tpu.memory_space<vmem>>
        %dma_wait3A_74 = tpu.memref_squeeze %dma_wait3A_73 : memref<1x128xi32, #tpu.memory_space<vmem>> -> memref<128xi32, #tpu.memory_space<vmem>>
        %dma_wait3A_75 = tpu.memref_slice %arg2[%add3A_44] : memref<323584xi32, #tpu.memory_space<hbm>> -> memref<128xi32, #tpu.memory_space<hbm>>
        tpu.wait_dma2 semaphore(%run_scoped3A_59 : memref<!tpu.dma_semaphore, #tpu.memory_space<semaphore_mem>>) src(%dma_wait3A_75 : memref<128xi32, #tpu.memory_space<hbm>>) dst(%dma_wait3A_74 : memref<128xi32, #tpu.memory_space<vmem>>)
        tpu.yield
      }) : () -> ()
      %run_scoped3A_45 = arith.constant 0 : i32
      "tpu.region"() ({
        %run_scoped3A_59 = tpu.sem_alloc : memref<!tpu.dma_semaphore, #tpu.memory_space<semaphore_mem>>
        %dma_start3A_60 = arith.constant 0 : i32
        %dma_start3A_61 = tpu.memref_slice %arg8[%run_scoped3A_45, %dma_start3A_60] : memref<1x128xi32, #tpu.memory_space<vmem>> -> memref<1x128xi32, #tpu.memory_space<vmem>>
        %dma_start3A_62 = tpu.memref_squeeze %dma_start3A_61 : memref<1x128xi32, #tpu.memory_space<vmem>> -> memref<128xi32, #tpu.memory_space<vmem>>
        %dma_start3A_63 = tpu.memref_slice %arg3[%add3A_44] : memref<323584xi32, #tpu.memory_space<hbm>> -> memref<128xi32, #tpu.memory_space<hbm>>
        %dma_start3A_64 = arith.constant 0 : i32
        %dma_start3A_65 = tpu.memref_slice %arg8[%run_scoped3A_45, %dma_start3A_64] : memref<1x128xi32, #tpu.memory_space<vmem>> -> memref<1x128xi32, #tpu.memory_space<vmem>>
        %dma_start3A_66 = tpu.memref_squeeze %dma_start3A_65 : memref<1x128xi32, #tpu.memory_space<vmem>> -> memref<128xi32, #tpu.memory_space<vmem>>
        %dma_start3A_67 = tpu.memref_slice %arg3[%add3A_44] : memref<323584xi32, #tpu.memory_space<hbm>> -> memref<128xi32, #tpu.memory_space<hbm>>
        tpu.enqueue_dma source(%dma_start3A_67 : memref<128xi32, #tpu.memory_space<hbm>>) target(%dma_start3A_66 : memref<128xi32, #tpu.memory_space<vmem>>) target_semaphore(%run_scoped3A_59 : memref<!tpu.dma_semaphore, #tpu.memory_space<semaphore_mem>>)
        %dma_wait3A_68 = arith.constant 0 : i32
        %dma_wait3A_69 = tpu.memref_slice %arg8[%run_scoped3A_45, %dma_wait3A_68] : memref<1x128xi32, #tpu.memory_space<vmem>> -> memref<1x128xi32, #tpu.memory_space<vmem>>
        %dma_wait3A_70 = tpu.memref_squeeze %dma_wait3A_69 : memref<1x128xi32, #tpu.memory_space<vmem>> -> memref<128xi32, #tpu.memory_space<vmem>>
        %dma_wait3A_71 = tpu.memref_slice %arg3[%add3A_44] : memref<323584xi32, #tpu.memory_space<hbm>> -> memref<128xi32, #tpu.memory_space<hbm>>
        %dma_wait3A_72 = arith.constant 0 : i32
        %dma_wait3A_73 = tpu.memref_slice %arg8[%run_scoped3A_45, %dma_wait3A_72] : memref<1x128xi32, #tpu.memory_space<vmem>> -> memref<1x128xi32, #tpu.memory_space<vmem>>
        %dma_wait3A_74 = tpu.memref_squeeze %dma_wait3A_73 : memref<1x128xi32, #tpu.memory_space<vmem>> -> memref<128xi32, #tpu.memory_space<vmem>>
        %dma_wait3A_75 = tpu.memref_slice %arg3[%add3A_44] : memref<323584xi32, #tpu.memory_space<hbm>> -> memref<128xi32, #tpu.memory_space<hbm>>
        tpu.wait_dma2 semaphore(%run_scoped3A_59 : memref<!tpu.dma_semaphore, #tpu.memory_space<semaphore_mem>>) src(%dma_wait3A_75 : memref<128xi32, #tpu.memory_space<hbm>>) dst(%dma_wait3A_74 : memref<128xi32, #tpu.memory_space<vmem>>)
        tpu.yield
      }) : () -> ()
      %dma_start3A = arith.constant 0 : i32
      %dma_start3A_46 = arith.constant 0 : i32
      %dma_start3A_47 = tpu.memref_slice %arg7[%dma_start3A, %dma_start3A_46] : memref<1x128xi32, #tpu.memory_space<vmem>> -> memref<1x128xi32, #tpu.memory_space<vmem>>
      %dma_start3A_48 = tpu.memref_squeeze %dma_start3A_47 : memref<1x128xi32, #tpu.memory_space<vmem>> -> memref<128xi32, #tpu.memory_space<vmem>>
      %dma_start3A_49 = arith.constant 0 : i32
      %dma_start3A_50 = arith.constant 0 : i32
      %dma_start3A_51 = tpu.memref_slice %arg4[%dma_start3A_49, %dma_start3A_50] : memref<10240x128xf32, #tpu.memory_space<hbm>> -> memref<10240x128xf32, #tpu.memory_space<hbm>>
      tpu.enqueue_indirect_dma source(%dma_start3A_51 : memref<10240x128xf32, #tpu.memory_space<hbm>>) target(%arg9 : memref<128x128xf32, #tpu.memory_space<vmem>>) offsets(%dma_start3A_48 : memref<128xi32, #tpu.memory_space<vmem>>) semaphore(%arg11 : memref<!tpu.dma_semaphore, #tpu.memory_space<semaphore_mem>>)
      %dma_wait3A = arith.constant 0 : i32
      %dma_wait3A_52 = arith.constant 0 : i32
      %dma_wait3A_53 = tpu.memref_slice %arg7[%dma_wait3A, %dma_wait3A_52] : memref<1x128xi32, #tpu.memory_space<vmem>> -> memref<1x128xi32, #tpu.memory_space<vmem>>
      %dma_wait3A_54 = tpu.memref_squeeze %dma_wait3A_53 : memref<1x128xi32, #tpu.memory_space<vmem>> -> memref<128xi32, #tpu.memory_space<vmem>>
      %dma_wait3A_55 = arith.constant 0 : i32
      %dma_wait3A_56 = arith.constant 0 : i32
      %dma_wait3A_57 = tpu.memref_slice %arg4[%dma_wait3A_55, %dma_wait3A_56] : memref<10240x128xf32, #tpu.memory_space<hbm>> -> memref<10240x128xf32, #tpu.memory_space<hbm>>
      tpu.wait_indirect_dma semaphore(%arg11 : memref<!tpu.dma_semaphore, #tpu.memory_space<semaphore_mem>>) src(%dma_wait3A_57 : memref<10240x128xf32, #tpu.memory_space<hbm>>) dst(%arg9 : memref<128x128xf32, #tpu.memory_space<vmem>>)
      %run_scoped3A_58 = arith.constant 0 : i32
      "tpu.region"() ({
        %run_scoped3A_59 = tpu.sem_alloc : memref<!tpu.dma_semaphore, #tpu.memory_space<semaphore_mem>>
        %dma_start3A_60 = arith.constant 0 : i32
        %dma_start3A_61 = tpu.memref_slice %arg8[%run_scoped3A_58, %dma_start3A_60] : memref<1x128xi32, #tpu.memory_space<vmem>> -> memref<1x128xi32, #tpu.memory_space<vmem>>
        %dma_start3A_62 = tpu.memref_squeeze %dma_start3A_61 : memref<1x128xi32, #tpu.memory_space<vmem>> -> memref<128xi32, #tpu.memory_space<vmem>>
        %dma_start3A_63 = arith.constant 0 : i32
        %dma_start3A_64 = arith.constant 0 : i32
        %dma_start3A_65 = tpu.memref_slice %arg10[%dma_start3A_63, %dma_start3A_64] : memref<10240x128xf32, #tpu.memory_space<vmem_shared>> -> memref<10240x128xf32, #tpu.memory_space<vmem_shared>>
        tpu.enqueue_indirect_dma source(%arg9 : memref<128x128xf32, #tpu.memory_space<vmem>>) target(%dma_start3A_65 : memref<10240x128xf32, #tpu.memory_space<vmem_shared>>) offsets(%dma_start3A_62 : memref<128xi32, #tpu.memory_space<vmem>>) semaphore(%run_scoped3A_59 : memref<!tpu.dma_semaphore, #tpu.memory_space<semaphore_mem>>) {add = true}
        %dma_wait3A_66 = arith.constant 0 : i32
        %dma_wait3A_67 = tpu.memref_slice %arg8[%run_scoped3A_58, %dma_wait3A_66] : memref<1x128xi32, #tpu.memory_space<vmem>> -> memref<1x128xi32, #tpu.memory_space<vmem>>
        %dma_wait3A_68 = tpu.memref_squeeze %dma_wait3A_67 : memref<1x128xi32, #tpu.memory_space<vmem>> -> memref<128xi32, #tpu.memory_space<vmem>>
        %dma_wait3A_69 = arith.constant 0 : i32
        %dma_wait3A_70 = arith.constant 0 : i32
        %dma_wait3A_71 = tpu.memref_slice %arg10[%dma_wait3A_69, %dma_wait3A_70] : memref<10240x128xf32, #tpu.memory_space<vmem_shared>> -> memref<10240x128xf32, #tpu.memory_space<vmem_shared>>
        tpu.wait_indirect_dma semaphore(%run_scoped3A_59 : memref<!tpu.dma_semaphore, #tpu.memory_space<semaphore_mem>>) src(%arg9 : memref<128x128xf32, #tpu.memory_space<vmem>>) dst(%dma_wait3A_71 : memref<10240x128xf32, #tpu.memory_space<vmem_shared>>)
        tpu.yield
      }) : () -> ()
    }
    %scan3A_19 = arith.constant 79 : i32
    %barrier3A_20 = arith.constant 0 : index
    tpu.barrier barrier_id(%barrier3A_20)
    %add3A_21 = arith.constant 0 : i32
    %add3A_22 = arith.addi %mul3A_2, %add3A_21 : i32
    "tpu.region"() ({
      %run_scoped3A = tpu.sem_alloc : memref<!tpu.dma_semaphore, #tpu.memory_space<semaphore_mem>>
      %dma_start3A = arith.constant 0 : i32
      %dma_start3A_41 = tpu.memref_slice %arg10[%add3A_22, %dma_start3A] : memref<10240x128xf32, #tpu.memory_space<vmem_shared>> -> memref<128x128xf32, #tpu.memory_space<vmem_shared>>
      %dma_start3A_42 = arith.constant 0 : i32
      %dma_start3A_43 = tpu.memref_slice %arg10[%add3A_22, %dma_start3A_42] : memref<10240x128xf32, #tpu.memory_space<vmem_shared>> -> memref<128x128xf32, #tpu.memory_space<vmem_shared>>
      tpu.enqueue_dma source(%dma_start3A_43 : memref<128x128xf32, #tpu.memory_space<vmem_shared>>) target(%arg9 : memref<128x128xf32, #tpu.memory_space<vmem>>) target_semaphore(%run_scoped3A : memref<!tpu.dma_semaphore, #tpu.memory_space<semaphore_mem>>)
      %dma_wait3A = arith.constant 0 : i32
      %dma_wait3A_44 = tpu.memref_slice %arg10[%add3A_22, %dma_wait3A] : memref<10240x128xf32, #tpu.memory_space<vmem_shared>> -> memref<128x128xf32, #tpu.memory_space<vmem_shared>>
      %dma_wait3A_45 = arith.constant 0 : i32
      %dma_wait3A_46 = tpu.memref_slice %arg10[%add3A_22, %dma_wait3A_45] : memref<10240x128xf32, #tpu.memory_space<vmem_shared>> -> memref<128x128xf32, #tpu.memory_space<vmem_shared>>
      tpu.wait_dma2 semaphore(%run_scoped3A : memref<!tpu.dma_semaphore, #tpu.memory_space<semaphore_mem>>) src(%dma_wait3A_46 : memref<128x128xf32, #tpu.memory_space<vmem_shared>>) dst(%arg9 : memref<128x128xf32, #tpu.memory_space<vmem>>)
      tpu.yield
    }) : () -> ()
    %add3A_23 = arith.constant 0 : i32
    %add3A_24 = arith.addi %mul3A_2, %add3A_23 : i32
    "tpu.region"() ({
      %run_scoped3A = tpu.sem_alloc : memref<!tpu.dma_semaphore, #tpu.memory_space<semaphore_mem>>
      %dma_start3A = arith.constant 0 : i32
      %dma_start3A_41 = tpu.memref_slice %arg6[%arg0, %add3A_24, %dma_start3A] : memref<2x10240x128xf32, #tpu.memory_space<hbm>> -> memref<1x128x128xf32, #tpu.memory_space<hbm>>
      %dma_start3A_42 = tpu.memref_squeeze %dma_start3A_41 : memref<1x128x128xf32, #tpu.memory_space<hbm>> -> memref<128x128xf32, #tpu.memory_space<hbm>>
      %dma_start3A_43 = arith.constant 0 : i32
      %dma_start3A_44 = tpu.memref_slice %arg6[%arg0, %add3A_24, %dma_start3A_43] : memref<2x10240x128xf32, #tpu.memory_space<hbm>> -> memref<1x128x128xf32, #tpu.memory_space<hbm>>
      %dma_start3A_45 = tpu.memref_squeeze %dma_start3A_44 : memref<1x128x128xf32, #tpu.memory_space<hbm>> -> memref<128x128xf32, #tpu.memory_space<hbm>>
      tpu.enqueue_dma source(%arg9 : memref<128x128xf32, #tpu.memory_space<vmem>>) target(%dma_start3A_45 : memref<128x128xf32, #tpu.memory_space<hbm>>) target_semaphore(%run_scoped3A : memref<!tpu.dma_semaphore, #tpu.memory_space<semaphore_mem>>)
      %dma_wait3A = arith.constant 0 : i32
      %dma_wait3A_46 = tpu.memref_slice %arg6[%arg0, %add3A_24, %dma_wait3A] : memref<2x10240x128xf32, #tpu.memory_space<hbm>> -> memref<1x128x128xf32, #tpu.memory_space<hbm>>
      %dma_wait3A_47 = tpu.memref_squeeze %dma_wait3A_46 : memref<1x128x128xf32, #tpu.memory_space<hbm>> -> memref<128x128xf32, #tpu.memory_space<hbm>>
      %dma_wait3A_48 = arith.constant 0 : i32
      %dma_wait3A_49 = tpu.memref_slice %arg6[%arg0, %add3A_24, %dma_wait3A_48] : memref<2x10240x128xf32, #tpu.memory_space<hbm>> -> memref<1x128x128xf32, #tpu.memory_space<hbm>>
      %dma_wait3A_50 = tpu.memref_squeeze %dma_wait3A_49 : memref<1x128x128xf32, #tpu.memory_space<hbm>> -> memref<128x128xf32, #tpu.memory_space<hbm>>
      tpu.wait_dma2 semaphore(%run_scoped3A : memref<!tpu.dma_semaphore, #tpu.memory_space<semaphore_mem>>) src(%arg9 : memref<128x128xf32, #tpu.memory_space<vmem>>) dst(%dma_wait3A_50 : memref<128x128xf32, #tpu.memory_space<hbm>>)
      tpu.yield
    }) : () -> ()
    %add3A_25 = arith.constant 128 : i32
    %add3A_26 = arith.addi %mul3A_2, %add3A_25 : i32
    "tpu.region"() ({
      %run_scoped3A = tpu.sem_alloc : memref<!tpu.dma_semaphore, #tpu.memory_space<semaphore_mem>>
      %dma_start3A = arith.constant 0 : i32
      %dma_start3A_41 = tpu.memref_slice %arg10[%add3A_26, %dma_start3A] : memref<10240x128xf32, #tpu.memory_space<vmem_shared>> -> memref<128x128xf32, #tpu.memory_space<vmem_shared>>
      %dma_start3A_42 = arith.constant 0 : i32
      %dma_start3A_43 = tpu.memref_slice %arg10[%add3A_26, %dma_start3A_42] : memref<10240x128xf32, #tpu.memory_space<vmem_shared>> -> memref<128x128xf32, #tpu.memory_space<vmem_shared>>
      tpu.enqueue_dma source(%dma_start3A_43 : memref<128x128xf32, #tpu.memory_space<vmem_shared>>) target(%arg9 : memref<128x128xf32, #tpu.memory_space<vmem>>) target_semaphore(%run_scoped3A : memref<!tpu.dma_semaphore, #tpu.memory_space<semaphore_mem>>)
      %dma_wait3A = arith.constant 0 : i32
      %dma_wait3A_44 = tpu.memref_slice %arg10[%add3A_26, %dma_wait3A] : memref<10240x128xf32, #tpu.memory_space<vmem_shared>> -> memref<128x128xf32, #tpu.memory_space<vmem_shared>>
      %dma_wait3A_45 = arith.constant 0 : i32
      %dma_wait3A_46 = tpu.memref_slice %arg10[%add3A_26, %dma_wait3A_45] : memref<10240x128xf32, #tpu.memory_space<vmem_shared>> -> memref<128x128xf32, #tpu.memory_space<vmem_shared>>
      tpu.wait_dma2 semaphore(%run_scoped3A : memref<!tpu.dma_semaphore, #tpu.memory_space<semaphore_mem>>) src(%dma_wait3A_46 : memref<128x128xf32, #tpu.memory_space<vmem_shared>>) dst(%arg9 : memref<128x128xf32, #tpu.memory_space<vmem>>)
      tpu.yield
    }) : () -> ()
    %add3A_27 = arith.constant 128 : i32
    %add3A_28 = arith.addi %mul3A_2, %add3A_27 : i32
    "tpu.region"() ({
      %run_scoped3A = tpu.sem_alloc : memref<!tpu.dma_semaphore, #tpu.memory_space<semaphore_mem>>
      %dma_start3A = arith.constant 0 : i32
      %dma_start3A_41 = tpu.memref_slice %arg6[%arg0, %add3A_28, %dma_start3A] : memref<2x10240x128xf32, #tpu.memory_space<hbm>> -> memref<1x128x128xf32, #tpu.memory_space<hbm>>
      %dma_start3A_42 = tpu.memref_squeeze %dma_start3A_41 : memref<1x128x128xf32, #tpu.memory_space<hbm>> -> memref<128x128xf32, #tpu.memory_space<hbm>>
      %dma_start3A_43 = arith.constant 0 : i32
      %dma_start3A_44 = tpu.memref_slice %arg6[%arg0, %add3A_28, %dma_start3A_43] : memref<2x10240x128xf32, #tpu.memory_space<hbm>> -> memref<1x128x128xf32, #tpu.memory_space<hbm>>
      %dma_start3A_45 = tpu.memref_squeeze %dma_start3A_44 : memref<1x128x128xf32, #tpu.memory_space<hbm>> -> memref<128x128xf32, #tpu.memory_space<hbm>>
      tpu.enqueue_dma source(%arg9 : memref<128x128xf32, #tpu.memory_space<vmem>>) target(%dma_start3A_45 : memref<128x128xf32, #tpu.memory_space<hbm>>) target_semaphore(%run_scoped3A : memref<!tpu.dma_semaphore, #tpu.memory_space<semaphore_mem>>)
      %dma_wait3A = arith.constant 0 : i32
      %dma_wait3A_46 = tpu.memref_slice %arg6[%arg0, %add3A_28, %dma_wait3A] : memref<2x10240x128xf32, #tpu.memory_space<hbm>> -> memref<1x128x128xf32, #tpu.memory_space<hbm>>
      %dma_wait3A_47 = tpu.memref_squeeze %dma_wait3A_46 : memref<1x128x128xf32, #tpu.memory_space<hbm>> -> memref<128x128xf32, #tpu.memory_space<hbm>>
      %dma_wait3A_48 = arith.constant 0 : i32
      %dma_wait3A_49 = tpu.memref_slice %arg6[%arg0, %add3A_28, %dma_wait3A_48] : memref<2x10240x128xf32, #tpu.memory_space<hbm>> -> memref<1x128x128xf32, #tpu.memory_space<hbm>>
      %dma_wait3A_50 = tpu.memref_squeeze %dma_wait3A_49 : memref<1x128x128xf32, #tpu.memory_space<hbm>> -> memref<128x128xf32, #tpu.memory_space<hbm>>
      tpu.wait_dma2 semaphore(%run_scoped3A : memref<!tpu.dma_semaphore, #tpu.memory_space<semaphore_mem>>) src(%arg9 : memref<128x128xf32, #tpu.memory_space<vmem>>) dst(%dma_wait3A_50 : memref<128x128xf32, #tpu.memory_space<hbm>>)
      tpu.yield
    }) : () -> ()
    %add3A_29 = arith.constant 256 : i32
    %add3A_30 = arith.addi %mul3A_2, %add3A_29 : i32
    "tpu.region"() ({
      %run_scoped3A = tpu.sem_alloc : memref<!tpu.dma_semaphore, #tpu.memory_space<semaphore_mem>>
      %dma_start3A = arith.constant 0 : i32
      %dma_start3A_41 = tpu.memref_slice %arg10[%add3A_30, %dma_start3A] : memref<10240x128xf32, #tpu.memory_space<vmem_shared>> -> memref<128x128xf32, #tpu.memory_space<vmem_shared>>
      %dma_start3A_42 = arith.constant 0 : i32
      %dma_start3A_43 = tpu.memref_slice %arg10[%add3A_30, %dma_start3A_42] : memref<10240x128xf32, #tpu.memory_space<vmem_shared>> -> memref<128x128xf32, #tpu.memory_space<vmem_shared>>
      tpu.enqueue_dma source(%dma_start3A_43 : memref<128x128xf32, #tpu.memory_space<vmem_shared>>) target(%arg9 : memref<128x128xf32, #tpu.memory_space<vmem>>) target_semaphore(%run_scoped3A : memref<!tpu.dma_semaphore, #tpu.memory_space<semaphore_mem>>)
      %dma_wait3A = arith.constant 0 : i32
      %dma_wait3A_44 = tpu.memref_slice %arg10[%add3A_30, %dma_wait3A] : memref<10240x128xf32, #tpu.memory_space<vmem_shared>> -> memref<128x128xf32, #tpu.memory_space<vmem_shared>>
      %dma_wait3A_45 = arith.constant 0 : i32
      %dma_wait3A_46 = tpu.memref_slice %arg10[%add3A_30, %dma_wait3A_45] : memref<10240x128xf32, #tpu.memory_space<vmem_shared>> -> memref<128x128xf32, #tpu.memory_space<vmem_shared>>
      tpu.wait_dma2 semaphore(%run_scoped3A : memref<!tpu.dma_semaphore, #tpu.memory_space<semaphore_mem>>) src(%dma_wait3A_46 : memref<128x128xf32, #tpu.memory_space<vmem_shared>>) dst(%arg9 : memref<128x128xf32, #tpu.memory_space<vmem>>)
      tpu.yield
    }) : () -> ()
    %add3A_31 = arith.constant 256 : i32
    %add3A_32 = arith.addi %mul3A_2, %add3A_31 : i32
    "tpu.region"() ({
      %run_scoped3A = tpu.sem_alloc : memref<!tpu.dma_semaphore, #tpu.memory_space<semaphore_mem>>
      %dma_start3A = arith.constant 0 : i32
      %dma_start3A_41 = tpu.memref_slice %arg6[%arg0, %add3A_32, %dma_start3A] : memref<2x10240x128xf32, #tpu.memory_space<hbm>> -> memref<1x128x128xf32, #tpu.memory_space<hbm>>
      %dma_start3A_42 = tpu.memref_squeeze %dma_start3A_41 : memref<1x128x128xf32, #tpu.memory_space<hbm>> -> memref<128x128xf32, #tpu.memory_space<hbm>>
      %dma_start3A_43 = arith.constant 0 : i32
      %dma_start3A_44 = tpu.memref_slice %arg6[%arg0, %add3A_32, %dma_start3A_43] : memref<2x10240x128xf32, #tpu.memory_space<hbm>> -> memref<1x128x128xf32, #tpu.memory_space<hbm>>
      %dma_start3A_45 = tpu.memref_squeeze %dma_start3A_44 : memref<1x128x128xf32, #tpu.memory_space<hbm>> -> memref<128x128xf32, #tpu.memory_space<hbm>>
      tpu.enqueue_dma source(%arg9 : memref<128x128xf32, #tpu.memory_space<vmem>>) target(%dma_start3A_45 : memref<128x128xf32, #tpu.memory_space<hbm>>) target_semaphore(%run_scoped3A : memref<!tpu.dma_semaphore, #tpu.memory_space<semaphore_mem>>)
      %dma_wait3A = arith.constant 0 : i32
      %dma_wait3A_46 = tpu.memref_slice %arg6[%arg0, %add3A_32, %dma_wait3A] : memref<2x10240x128xf32, #tpu.memory_space<hbm>> -> memref<1x128x128xf32, #tpu.memory_space<hbm>>
      %dma_wait3A_47 = tpu.memref_squeeze %dma_wait3A_46 : memref<1x128x128xf32, #tpu.memory_space<hbm>> -> memref<128x128xf32, #tpu.memory_space<hbm>>
      %dma_wait3A_48 = arith.constant 0 : i32
      %dma_wait3A_49 = tpu.memref_slice %arg6[%arg0, %add3A_32, %dma_wait3A_48] : memref<2x10240x128xf32, #tpu.memory_space<hbm>> -> memref<1x128x128xf32, #tpu.memory_space<hbm>>
      %dma_wait3A_50 = tpu.memref_squeeze %dma_wait3A_49 : memref<1x128x128xf32, #tpu.memory_space<hbm>> -> memref<128x128xf32, #tpu.memory_space<hbm>>
      tpu.wait_dma2 semaphore(%run_scoped3A : memref<!tpu.dma_semaphore, #tpu.memory_space<semaphore_mem>>) src(%arg9 : memref<128x128xf32, #tpu.memory_space<vmem>>) dst(%dma_wait3A_50 : memref<128x128xf32, #tpu.memory_space<hbm>>)
      tpu.yield
    }) : () -> ()
    %add3A_33 = arith.constant 384 : i32
    %add3A_34 = arith.addi %mul3A_2, %add3A_33 : i32
    "tpu.region"() ({
      %run_scoped3A = tpu.sem_alloc : memref<!tpu.dma_semaphore, #tpu.memory_space<semaphore_mem>>
      %dma_start3A = arith.constant 0 : i32
      %dma_start3A_41 = tpu.memref_slice %arg10[%add3A_34, %dma_start3A] : memref<10240x128xf32, #tpu.memory_space<vmem_shared>> -> memref<128x128xf32, #tpu.memory_space<vmem_shared>>
      %dma_start3A_42 = arith.constant 0 : i32
      %dma_start3A_43 = tpu.memref_slice %arg10[%add3A_34, %dma_start3A_42] : memref<10240x128xf32, #tpu.memory_space<vmem_shared>> -> memref<128x128xf32, #tpu.memory_space<vmem_shared>>
      tpu.enqueue_dma source(%dma_start3A_43 : memref<128x128xf32, #tpu.memory_space<vmem_shared>>) target(%arg9 : memref<128x128xf32, #tpu.memory_space<vmem>>) target_semaphore(%run_scoped3A : memref<!tpu.dma_semaphore, #tpu.memory_space<semaphore_mem>>)
      %dma_wait3A = arith.constant 0 : i32
      %dma_wait3A_44 = tpu.memref_slice %arg10[%add3A_34, %dma_wait3A] : memref<10240x128xf32, #tpu.memory_space<vmem_shared>> -> memref<128x128xf32, #tpu.memory_space<vmem_shared>>
      %dma_wait3A_45 = arith.constant 0 : i32
      %dma_wait3A_46 = tpu.memref_slice %arg10[%add3A_34, %dma_wait3A_45] : memref<10240x128xf32, #tpu.memory_space<vmem_shared>> -> memref<128x128xf32, #tpu.memory_space<vmem_shared>>
      tpu.wait_dma2 semaphore(%run_scoped3A : memref<!tpu.dma_semaphore, #tpu.memory_space<semaphore_mem>>) src(%dma_wait3A_46 : memref<128x128xf32, #tpu.memory_space<vmem_shared>>) dst(%arg9 : memref<128x128xf32, #tpu.memory_space<vmem>>)
      tpu.yield
    }) : () -> ()
    %add3A_35 = arith.constant 384 : i32
    %add3A_36 = arith.addi %mul3A_2, %add3A_35 : i32
    "tpu.region"() ({
      %run_scoped3A = tpu.sem_alloc : memref<!tpu.dma_semaphore, #tpu.memory_space<semaphore_mem>>
      %dma_start3A = arith.constant 0 : i32
      %dma_start3A_41 = tpu.memref_slice %arg6[%arg0, %add3A_36, %dma_start3A] : memref<2x10240x128xf32, #tpu.memory_space<hbm>> -> memref<1x128x128xf32, #tpu.memory_space<hbm>>
      %dma_start3A_42 = tpu.memref_squeeze %dma_start3A_41 : memref<1x128x128xf32, #tpu.memory_space<hbm>> -> memref<128x128xf32, #tpu.memory_space<hbm>>
      %dma_start3A_43 = arith.constant 0 : i32
      %dma_start3A_44 = tpu.memref_slice %arg6[%arg0, %add3A_36, %dma_start3A_43] : memref<2x10240x128xf32, #tpu.memory_space<hbm>> -> memref<1x128x128xf32, #tpu.memory_space<hbm>>
      %dma_start3A_45 = tpu.memref_squeeze %dma_start3A_44 : memref<1x128x128xf32, #tpu.memory_space<hbm>> -> memref<128x128xf32, #tpu.memory_space<hbm>>
      tpu.enqueue_dma source(%arg9 : memref<128x128xf32, #tpu.memory_space<vmem>>) target(%dma_start3A_45 : memref<128x128xf32, #tpu.memory_space<hbm>>) target_semaphore(%run_scoped3A : memref<!tpu.dma_semaphore, #tpu.memory_space<semaphore_mem>>)
      %dma_wait3A = arith.constant 0 : i32
      %dma_wait3A_46 = tpu.memref_slice %arg6[%arg0, %add3A_36, %dma_wait3A] : memref<2x10240x128xf32, #tpu.memory_space<hbm>> -> memref<1x128x128xf32, #tpu.memory_space<hbm>>
      %dma_wait3A_47 = tpu.memref_squeeze %dma_wait3A_46 : memref<1x128x128xf32, #tpu.memory_space<hbm>> -> memref<128x128xf32, #tpu.memory_space<hbm>>
      %dma_wait3A_48 = arith.constant 0 : i32
      %dma_wait3A_49 = tpu.memref_slice %arg6[%arg0, %add3A_36, %dma_wait3A_48] : memref<2x10240x128xf32, #tpu.memory_space<hbm>> -> memref<1x128x128xf32, #tpu.memory_space<hbm>>
      %dma_wait3A_50 = tpu.memref_squeeze %dma_wait3A_49 : memref<1x128x128xf32, #tpu.memory_space<hbm>> -> memref<128x128xf32, #tpu.memory_space<hbm>>
      tpu.wait_dma2 semaphore(%run_scoped3A : memref<!tpu.dma_semaphore, #tpu.memory_space<semaphore_mem>>) src(%arg9 : memref<128x128xf32, #tpu.memory_space<vmem>>) dst(%dma_wait3A_50 : memref<128x128xf32, #tpu.memory_space<hbm>>)
      tpu.yield
    }) : () -> ()
    %add3A_37 = arith.constant 512 : i32
    %add3A_38 = arith.addi %mul3A_2, %add3A_37 : i32
    "tpu.region"() ({
      %run_scoped3A = tpu.sem_alloc : memref<!tpu.dma_semaphore, #tpu.memory_space<semaphore_mem>>
      %dma_start3A = arith.constant 0 : i32
      %dma_start3A_41 = tpu.memref_slice %arg10[%add3A_38, %dma_start3A] : memref<10240x128xf32, #tpu.memory_space<vmem_shared>> -> memref<128x128xf32, #tpu.memory_space<vmem_shared>>
      %dma_start3A_42 = arith.constant 0 : i32
      %dma_start3A_43 = tpu.memref_slice %arg10[%add3A_38, %dma_start3A_42] : memref<10240x128xf32, #tpu.memory_space<vmem_shared>> -> memref<128x128xf32, #tpu.memory_space<vmem_shared>>
      tpu.enqueue_dma source(%dma_start3A_43 : memref<128x128xf32, #tpu.memory_space<vmem_shared>>) target(%arg9 : memref<128x128xf32, #tpu.memory_space<vmem>>) target_semaphore(%run_scoped3A : memref<!tpu.dma_semaphore, #tpu.memory_space<semaphore_mem>>)
      %dma_wait3A = arith.constant 0 : i32
      %dma_wait3A_44 = tpu.memref_slice %arg10[%add3A_38, %dma_wait3A] : memref<10240x128xf32, #tpu.memory_space<vmem_shared>> -> memref<128x128xf32, #tpu.memory_space<vmem_shared>>
      %dma_wait3A_45 = arith.constant 0 : i32
      %dma_wait3A_46 = tpu.memref_slice %arg10[%add3A_38, %dma_wait3A_45] : memref<10240x128xf32, #tpu.memory_space<vmem_shared>> -> memref<128x128xf32, #tpu.memory_space<vmem_shared>>
      tpu.wait_dma2 semaphore(%run_scoped3A : memref<!tpu.dma_semaphore, #tpu.memory_space<semaphore_mem>>) src(%dma_wait3A_46 : memref<128x128xf32, #tpu.memory_space<vmem_shared>>) dst(%arg9 : memref<128x128xf32, #tpu.memory_space<vmem>>)
      tpu.yield
    }) : () -> ()
    %add3A_39 = arith.constant 512 : i32
    %add3A_40 = arith.addi %mul3A_2, %add3A_39 : i32
    "tpu.region"() ({
      %run_scoped3A = tpu.sem_alloc : memref<!tpu.dma_semaphore, #tpu.memory_space<semaphore_mem>>
      %dma_start3A = arith.constant 0 : i32
      %dma_start3A_41 = tpu.memref_slice %arg6[%arg0, %add3A_40, %dma_start3A] : memref<2x10240x128xf32, #tpu.memory_space<hbm>> -> memref<1x128x128xf32, #tpu.memory_space<hbm>>
      %dma_start3A_42 = tpu.memref_squeeze %dma_start3A_41 : memref<1x128x128xf32, #tpu.memory_space<hbm>> -> memref<128x128xf32, #tpu.memory_space<hbm>>
      %dma_start3A_43 = arith.constant 0 : i32
      %dma_start3A_44 = tpu.memref_slice %arg6[%arg0, %add3A_40, %dma_start3A_43] : memref<2x10240x128xf32, #tpu.memory_space<hbm>> -> memref<1x128x128xf32, #tpu.memory_space<hbm>>
      %dma_start3A_45 = tpu.memref_squeeze %dma_start3A_44 : memref<1x128x128xf32, #tpu.memory_space<hbm>> -> memref<128x128xf32, #tpu.memory_space<hbm>>
      tpu.enqueue_dma source(%arg9 : memref<128x128xf32, #tpu.memory_space<vmem>>) target(%dma_start3A_45 : memref<128x128xf32, #tpu.memory_space<hbm>>) target_semaphore(%run_scoped3A : memref<!tpu.dma_semaphore, #tpu.memory_space<semaphore_mem>>)
      %dma_wait3A = arith.constant 0 : i32
      %dma_wait3A_46 = tpu.memref_slice %arg6[%arg0, %add3A_40, %dma_wait3A] : memref<2x10240x128xf32, #tpu.memory_space<hbm>> -> memref<1x128x128xf32, #tpu.memory_space<hbm>>
      %dma_wait3A_47 = tpu.memref_squeeze %dma_wait3A_46 : memref<1x128x128xf32, #tpu.memory_space<hbm>> -> memref<128x128xf32, #tpu.memory_space<hbm>>
      %dma_wait3A_48 = arith.constant 0 : i32
      %dma_wait3A_49 = tpu.memref_slice %arg6[%arg0, %add3A_40, %dma_wait3A_48] : memref<2x10240x128xf32, #tpu.memory_space<hbm>> -> memref<1x128x128xf32, #tpu.memory_space<hbm>>
      %dma_wait3A_50 = tpu.memref_squeeze %dma_wait3A_49 : memref<1x128x128xf32, #tpu.memory_space<hbm>> -> memref<128x128xf32, #tpu.memory_space<hbm>>
      tpu.wait_dma2 semaphore(%run_scoped3A : memref<!tpu.dma_semaphore, #tpu.memory_space<semaphore_mem>>) src(%arg9 : memref<128x128xf32, #tpu.memory_space<vmem>>) dst(%dma_wait3A_50 : memref<128x128xf32, #tpu.memory_space<hbm>>)
      tpu.yield
    }) : () -> ()
    return
  }
}

#map = affine_map<(d0, d1) -> (0)>
#map1 = affine_map<(d0, d1) -> (0, 0)>
#map2 = affine_map<(d0, d1) -> (0, 0, 0)>
module attributes {stable_mosaic.version = 14 : i64} {
  func.func @_agg_kernel(%arg0: i32, %arg1: i32, %arg2: memref<323584xi32, #tpu.memory_space<hbm>>, %arg3: memref<323584xi32, #tpu.memory_space<hbm>>, %arg4: memref<10240x128xf32, #tpu.memory_space<hbm>>, %arg5: memref<128x128xf32, #tpu.memory_space<hbm>>, %arg6: memref<2x10240x128xf32, #tpu.memory_space<hbm>>, %arg7: memref<1x128xi32, #tpu.memory_space<vmem>>, %arg8: memref<1x128xi32, #tpu.memory_space<vmem>>, %arg9: memref<128x128xf32, #tpu.memory_space<vmem>>, %arg10: memref<10240x128xf32, #tpu.memory_space<vmem_shared>>, %arg11: memref<!tpu.dma_semaphore, #tpu.memory_space<semaphore_mem>>) attributes {dimension_semantics = [#tpu.dimension_semantics<core_parallel>, #tpu.dimension_semantics<subcore_parallel>], iteration_bounds = array<i64: 2, 16>, scalar_prefetch = 0 : i64, scratch_operands = 5 : i64, tpu.core_type = #tpu.core_type<sc_vector_subcore>, window_params = [{transform_indices = #map}, {transform_indices = #map}, {transform_indices = #map1}, {transform_indices = #map1}, {transform_indices = #map2}]} {
    %mul3A = arith.constant 16 : i32
    %mul3A_0 = arith.muli %arg0, %mul3A : i32
    %add3A = arith.addi %mul3A_0, %arg1 : i32
    %mul3A_1 = arith.constant 640 : i32
    %mul3A_2 = arith.muli %arg1, %mul3A_1 : i32
    "tpu.region"() ({
      %run_scoped3A = tpu.sem_alloc : memref<!tpu.dma_semaphore, #tpu.memory_space<semaphore_mem>>
      tpu.enqueue_dma source(%arg5 : memref<128x128xf32, #tpu.memory_space<hbm>>) target(%arg9 : memref<128x128xf32, #tpu.memory_space<vmem>>) target_semaphore(%run_scoped3A : memref<!tpu.dma_semaphore, #tpu.memory_space<semaphore_mem>>)
      tpu.wait_dma2 semaphore(%run_scoped3A : memref<!tpu.dma_semaphore, #tpu.memory_space<semaphore_mem>>) src(%arg5 : memref<128x128xf32, #tpu.memory_space<hbm>>) dst(%arg9 : memref<128x128xf32, #tpu.memory_space<vmem>>)
      tpu.yield
    }) : () -> ()
    %add3A_3 = arith.constant 0 : i32
    %add3A_4 = arith.addi %mul3A_2, %add3A_3 : i32
    "tpu.region"() ({
      %run_scoped3A = tpu.sem_alloc : memref<!tpu.dma_semaphore, #tpu.memory_space<semaphore_mem>>
      %dma_start3A = arith.constant 0 : i32
      %dma_start3A_41 = tpu.memref_slice %arg10[%add3A_4, %dma_start3A] : memref<10240x128xf32, #tpu.memory_space<vmem_shared>> -> memref<128x128xf32, #tpu.memory_space<vmem_shared>>
      %dma_start3A_42 = arith.constant 0 : i32
      %dma_start3A_43 = tpu.memref_slice %arg10[%add3A_4, %dma_start3A_42] : memref<10240x128xf32, #tpu.memory_space<vmem_shared>> -> memref<128x128xf32, #tpu.memory_space<vmem_shared>>
      tpu.enqueue_dma source(%arg9 : memref<128x128xf32, #tpu.memory_space<vmem>>) target(%dma_start3A_43 : memref<128x128xf32, #tpu.memory_space<vmem_shared>>) target_semaphore(%run_scoped3A : memref<!tpu.dma_semaphore, #tpu.memory_space<semaphore_mem>>)
      %dma_wait3A = arith.constant 0 : i32
      %dma_wait3A_44 = tpu.memref_slice %arg10[%add3A_4, %dma_wait3A] : memref<10240x128xf32, #tpu.memory_space<vmem_shared>> -> memref<128x128xf32, #tpu.memory_space<vmem_shared>>
      %dma_wait3A_45 = arith.constant 0 : i32
      %dma_wait3A_46 = tpu.memref_slice %arg10[%add3A_4, %dma_wait3A_45] : memref<10240x128xf32, #tpu.memory_space<vmem_shared>> -> memref<128x128xf32, #tpu.memory_space<vmem_shared>>
      tpu.wait_dma2 semaphore(%run_scoped3A : memref<!tpu.dma_semaphore, #tpu.memory_space<semaphore_mem>>) src(%arg9 : memref<128x128xf32, #tpu.memory_space<vmem>>) dst(%dma_wait3A_46 : memref<128x128xf32, #tpu.memory_space<vmem_shared>>)
      tpu.yield
    }) : () -> ()
    %add3A_5 = arith.constant 128 : i32
    %add3A_6 = arith.addi %mul3A_2, %add3A_5 : i32
    "tpu.region"() ({
      %run_scoped3A = tpu.sem_alloc : memref<!tpu.dma_semaphore, #tpu.memory_space<semaphore_mem>>
      %dma_start3A = arith.constant 0 : i32
      %dma_start3A_41 = tpu.memref_slice %arg10[%add3A_6, %dma_start3A] : memref<10240x128xf32, #tpu.memory_space<vmem_shared>> -> memref<128x128xf32, #tpu.memory_space<vmem_shared>>
      %dma_start3A_42 = arith.constant 0 : i32
      %dma_start3A_43 = tpu.memref_slice %arg10[%add3A_6, %dma_start3A_42] : memref<10240x128xf32, #tpu.memory_space<vmem_shared>> -> memref<128x128xf32, #tpu.memory_space<vmem_shared>>
      tpu.enqueue_dma source(%arg9 : memref<128x128xf32, #tpu.memory_space<vmem>>) target(%dma_start3A_43 : memref<128x128xf32, #tpu.memory_space<vmem_shared>>) target_semaphore(%run_scoped3A : memref<!tpu.dma_semaphore, #tpu.memory_space<semaphore_mem>>)
      %dma_wait3A = arith.constant 0 : i32
      %dma_wait3A_44 = tpu.memref_slice %arg10[%add3A_6, %dma_wait3A] : memref<10240x128xf32, #tpu.memory_space<vmem_shared>> -> memref<128x128xf32, #tpu.memory_space<vmem_shared>>
      %dma_wait3A_45 = arith.constant 0 : i32
      %dma_wait3A_46 = tpu.memref_slice %arg10[%add3A_6, %dma_wait3A_45] : memref<10240x128xf32, #tpu.memory_space<vmem_shared>> -> memref<128x128xf32, #tpu.memory_space<vmem_shared>>
      tpu.wait_dma2 semaphore(%run_scoped3A : memref<!tpu.dma_semaphore, #tpu.memory_space<semaphore_mem>>) src(%arg9 : memref<128x128xf32, #tpu.memory_space<vmem>>) dst(%dma_wait3A_46 : memref<128x128xf32, #tpu.memory_space<vmem_shared>>)
      tpu.yield
    }) : () -> ()
    %add3A_7 = arith.constant 256 : i32
    %add3A_8 = arith.addi %mul3A_2, %add3A_7 : i32
    "tpu.region"() ({
      %run_scoped3A = tpu.sem_alloc : memref<!tpu.dma_semaphore, #tpu.memory_space<semaphore_mem>>
      %dma_start3A = arith.constant 0 : i32
      %dma_start3A_41 = tpu.memref_slice %arg10[%add3A_8, %dma_start3A] : memref<10240x128xf32, #tpu.memory_space<vmem_shared>> -> memref<128x128xf32, #tpu.memory_space<vmem_shared>>
      %dma_start3A_42 = arith.constant 0 : i32
      %dma_start3A_43 = tpu.memref_slice %arg10[%add3A_8, %dma_start3A_42] : memref<10240x128xf32, #tpu.memory_space<vmem_shared>> -> memref<128x128xf32, #tpu.memory_space<vmem_shared>>
      tpu.enqueue_dma source(%arg9 : memref<128x128xf32, #tpu.memory_space<vmem>>) target(%dma_start3A_43 : memref<128x128xf32, #tpu.memory_space<vmem_shared>>) target_semaphore(%run_scoped3A : memref<!tpu.dma_semaphore, #tpu.memory_space<semaphore_mem>>)
      %dma_wait3A = arith.constant 0 : i32
      %dma_wait3A_44 = tpu.memref_slice %arg10[%add3A_8, %dma_wait3A] : memref<10240x128xf32, #tpu.memory_space<vmem_shared>> -> memref<128x128xf32, #tpu.memory_space<vmem_shared>>
      %dma_wait3A_45 = arith.constant 0 : i32
      %dma_wait3A_46 = tpu.memref_slice %arg10[%add3A_8, %dma_wait3A_45] : memref<10240x128xf32, #tpu.memory_space<vmem_shared>> -> memref<128x128xf32, #tpu.memory_space<vmem_shared>>
      tpu.wait_dma2 semaphore(%run_scoped3A : memref<!tpu.dma_semaphore, #tpu.memory_space<semaphore_mem>>) src(%arg9 : memref<128x128xf32, #tpu.memory_space<vmem>>) dst(%dma_wait3A_46 : memref<128x128xf32, #tpu.memory_space<vmem_shared>>)
      tpu.yield
    }) : () -> ()
    %add3A_9 = arith.constant 384 : i32
    %add3A_10 = arith.addi %mul3A_2, %add3A_9 : i32
    "tpu.region"() ({
      %run_scoped3A = tpu.sem_alloc : memref<!tpu.dma_semaphore, #tpu.memory_space<semaphore_mem>>
      %dma_start3A = arith.constant 0 : i32
      %dma_start3A_41 = tpu.memref_slice %arg10[%add3A_10, %dma_start3A] : memref<10240x128xf32, #tpu.memory_space<vmem_shared>> -> memref<128x128xf32, #tpu.memory_space<vmem_shared>>
      %dma_start3A_42 = arith.constant 0 : i32
      %dma_start3A_43 = tpu.memref_slice %arg10[%add3A_10, %dma_start3A_42] : memref<10240x128xf32, #tpu.memory_space<vmem_shared>> -> memref<128x128xf32, #tpu.memory_space<vmem_shared>>
      tpu.enqueue_dma source(%arg9 : memref<128x128xf32, #tpu.memory_space<vmem>>) target(%dma_start3A_43 : memref<128x128xf32, #tpu.memory_space<vmem_shared>>) target_semaphore(%run_scoped3A : memref<!tpu.dma_semaphore, #tpu.memory_space<semaphore_mem>>)
      %dma_wait3A = arith.constant 0 : i32
      %dma_wait3A_44 = tpu.memref_slice %arg10[%add3A_10, %dma_wait3A] : memref<10240x128xf32, #tpu.memory_space<vmem_shared>> -> memref<128x128xf32, #tpu.memory_space<vmem_shared>>
      %dma_wait3A_45 = arith.constant 0 : i32
      %dma_wait3A_46 = tpu.memref_slice %arg10[%add3A_10, %dma_wait3A_45] : memref<10240x128xf32, #tpu.memory_space<vmem_shared>> -> memref<128x128xf32, #tpu.memory_space<vmem_shared>>
      tpu.wait_dma2 semaphore(%run_scoped3A : memref<!tpu.dma_semaphore, #tpu.memory_space<semaphore_mem>>) src(%arg9 : memref<128x128xf32, #tpu.memory_space<vmem>>) dst(%dma_wait3A_46 : memref<128x128xf32, #tpu.memory_space<vmem_shared>>)
      tpu.yield
    }) : () -> ()
    %add3A_11 = arith.constant 512 : i32
    %add3A_12 = arith.addi %mul3A_2, %add3A_11 : i32
    "tpu.region"() ({
      %run_scoped3A = tpu.sem_alloc : memref<!tpu.dma_semaphore, #tpu.memory_space<semaphore_mem>>
      %dma_start3A = arith.constant 0 : i32
      %dma_start3A_41 = tpu.memref_slice %arg10[%add3A_12, %dma_start3A] : memref<10240x128xf32, #tpu.memory_space<vmem_shared>> -> memref<128x128xf32, #tpu.memory_space<vmem_shared>>
      %dma_start3A_42 = arith.constant 0 : i32
      %dma_start3A_43 = tpu.memref_slice %arg10[%add3A_12, %dma_start3A_42] : memref<10240x128xf32, #tpu.memory_space<vmem_shared>> -> memref<128x128xf32, #tpu.memory_space<vmem_shared>>
      tpu.enqueue_dma source(%arg9 : memref<128x128xf32, #tpu.memory_space<vmem>>) target(%dma_start3A_43 : memref<128x128xf32, #tpu.memory_space<vmem_shared>>) target_semaphore(%run_scoped3A : memref<!tpu.dma_semaphore, #tpu.memory_space<semaphore_mem>>)
      %dma_wait3A = arith.constant 0 : i32
      %dma_wait3A_44 = tpu.memref_slice %arg10[%add3A_12, %dma_wait3A] : memref<10240x128xf32, #tpu.memory_space<vmem_shared>> -> memref<128x128xf32, #tpu.memory_space<vmem_shared>>
      %dma_wait3A_45 = arith.constant 0 : i32
      %dma_wait3A_46 = tpu.memref_slice %arg10[%add3A_12, %dma_wait3A_45] : memref<10240x128xf32, #tpu.memory_space<vmem_shared>> -> memref<128x128xf32, #tpu.memory_space<vmem_shared>>
      tpu.wait_dma2 semaphore(%run_scoped3A : memref<!tpu.dma_semaphore, #tpu.memory_space<semaphore_mem>>) src(%arg9 : memref<128x128xf32, #tpu.memory_space<vmem>>) dst(%dma_wait3A_46 : memref<128x128xf32, #tpu.memory_space<vmem_shared>>)
      tpu.yield
    }) : () -> ()
    %barrier3A = arith.constant 0 : index
    tpu.barrier barrier_id(%barrier3A)
    %mul3A_13 = arith.constant 10112 : i32
    %mul3A_14 = arith.muli %add3A, %mul3A_13 : i32
    %scan3A = arith.constant 0 : i32
    %scan3A_15 = arith.constant 0 : i32
    %scan3A_16 = arith.constant 79 : i32
    %scan3A_17 = arith.addi %scan3A_15, %scan3A_16 : i32
    %scan3A_18 = arith.constant 1 : i32
    scf.for %scan3A_41 = %scan3A_15 to %scan3A_17 step %scan3A_18  : i32 {
      %mul3A_42 = arith.constant 128 : i32
      %mul3A_43 = arith.muli %scan3A_41, %mul3A_42 : i32
      %add3A_44 = arith.addi %mul3A_14, %mul3A_43 : i32
      %run_scoped3A = arith.constant 0 : i32
      "tpu.region"() ({
        %run_scoped3A_59 = tpu.sem_alloc : memref<!tpu.dma_semaphore, #tpu.memory_space<semaphore_mem>>
        %dma_start3A_60 = arith.constant 0 : i32
        %dma_start3A_61 = tpu.memref_slice %arg7[%run_scoped3A, %dma_start3A_60] : memref<1x128xi32, #tpu.memory_space<vmem>> -> memref<1x128xi32, #tpu.memory_space<vmem>>
        %dma_start3A_62 = tpu.memref_squeeze %dma_start3A_61 : memref<1x128xi32, #tpu.memory_space<vmem>> -> memref<128xi32, #tpu.memory_space<vmem>>
        %dma_start3A_63 = tpu.memref_slice %arg2[%add3A_44] : memref<323584xi32, #tpu.memory_space<hbm>> -> memref<128xi32, #tpu.memory_space<hbm>>
        %dma_start3A_64 = arith.constant 0 : i32
        %dma_start3A_65 = tpu.memref_slice %arg7[%run_scoped3A, %dma_start3A_64] : memref<1x128xi32, #tpu.memory_space<vmem>> -> memref<1x128xi32, #tpu.memory_space<vmem>>
        %dma_start3A_66 = tpu.memref_squeeze %dma_start3A_65 : memref<1x128xi32, #tpu.memory_space<vmem>> -> memref<128xi32, #tpu.memory_space<vmem>>
        %dma_start3A_67 = tpu.memref_slice %arg2[%add3A_44] : memref<323584xi32, #tpu.memory_space<hbm>> -> memref<128xi32, #tpu.memory_space<hbm>>
        tpu.enqueue_dma source(%dma_start3A_67 : memref<128xi32, #tpu.memory_space<hbm>>) target(%dma_start3A_66 : memref<128xi32, #tpu.memory_space<vmem>>) target_semaphore(%run_scoped3A_59 : memref<!tpu.dma_semaphore, #tpu.memory_space<semaphore_mem>>)
        %dma_wait3A_68 = arith.constant 0 : i32
        %dma_wait3A_69 = tpu.memref_slice %arg7[%run_scoped3A, %dma_wait3A_68] : memref<1x128xi32, #tpu.memory_space<vmem>> -> memref<1x128xi32, #tpu.memory_space<vmem>>
        %dma_wait3A_70 = tpu.memref_squeeze %dma_wait3A_69 : memref<1x128xi32, #tpu.memory_space<vmem>> -> memref<128xi32, #tpu.memory_space<vmem>>
        %dma_wait3A_71 = tpu.memref_slice %arg2[%add3A_44] : memref<323584xi32, #tpu.memory_space<hbm>> -> memref<128xi32, #tpu.memory_space<hbm>>
        %dma_wait3A_72 = arith.constant 0 : i32
        %dma_wait3A_73 = tpu.memref_slice %arg7[%run_scoped3A, %dma_wait3A_72] : memref<1x128xi32, #tpu.memory_space<vmem>> -> memref<1x128xi32, #tpu.memory_space<vmem>>
        %dma_wait3A_74 = tpu.memref_squeeze %dma_wait3A_73 : memref<1x128xi32, #tpu.memory_space<vmem>> -> memref<128xi32, #tpu.memory_space<vmem>>
        %dma_wait3A_75 = tpu.memref_slice %arg2[%add3A_44] : memref<323584xi32, #tpu.memory_space<hbm>> -> memref<128xi32, #tpu.memory_space<hbm>>
        tpu.wait_dma2 semaphore(%run_scoped3A_59 : memref<!tpu.dma_semaphore, #tpu.memory_space<semaphore_mem>>) src(%dma_wait3A_75 : memref<128xi32, #tpu.memory_space<hbm>>) dst(%dma_wait3A_74 : memref<128xi32, #tpu.memory_space<vmem>>)
        tpu.yield
      }) : () -> ()
      %run_scoped3A_45 = arith.constant 0 : i32
      "tpu.region"() ({
        %run_scoped3A_59 = tpu.sem_alloc : memref<!tpu.dma_semaphore, #tpu.memory_space<semaphore_mem>>
        %dma_start3A_60 = arith.constant 0 : i32
        %dma_start3A_61 = tpu.memref_slice %arg8[%run_scoped3A_45, %dma_start3A_60] : memref<1x128xi32, #tpu.memory_space<vmem>> -> memref<1x128xi32, #tpu.memory_space<vmem>>
        %dma_start3A_62 = tpu.memref_squeeze %dma_start3A_61 : memref<1x128xi32, #tpu.memory_space<vmem>> -> memref<128xi32, #tpu.memory_space<vmem>>
        %dma_start3A_63 = tpu.memref_slice %arg3[%add3A_44] : memref<323584xi32, #tpu.memory_space<hbm>> -> memref<128xi32, #tpu.memory_space<hbm>>
        %dma_start3A_64 = arith.constant 0 : i32
        %dma_start3A_65 = tpu.memref_slice %arg8[%run_scoped3A_45, %dma_start3A_64] : memref<1x128xi32, #tpu.memory_space<vmem>> -> memref<1x128xi32, #tpu.memory_space<vmem>>
        %dma_start3A_66 = tpu.memref_squeeze %dma_start3A_65 : memref<1x128xi32, #tpu.memory_space<vmem>> -> memref<128xi32, #tpu.memory_space<vmem>>
        %dma_start3A_67 = tpu.memref_slice %arg3[%add3A_44] : memref<323584xi32, #tpu.memory_space<hbm>> -> memref<128xi32, #tpu.memory_space<hbm>>
        tpu.enqueue_dma source(%dma_start3A_67 : memref<128xi32, #tpu.memory_space<hbm>>) target(%dma_start3A_66 : memref<128xi32, #tpu.memory_space<vmem>>) target_semaphore(%run_scoped3A_59 : memref<!tpu.dma_semaphore, #tpu.memory_space<semaphore_mem>>)
        %dma_wait3A_68 = arith.constant 0 : i32
        %dma_wait3A_69 = tpu.memref_slice %arg8[%run_scoped3A_45, %dma_wait3A_68] : memref<1x128xi32, #tpu.memory_space<vmem>> -> memref<1x128xi32, #tpu.memory_space<vmem>>
        %dma_wait3A_70 = tpu.memref_squeeze %dma_wait3A_69 : memref<1x128xi32, #tpu.memory_space<vmem>> -> memref<128xi32, #tpu.memory_space<vmem>>
        %dma_wait3A_71 = tpu.memref_slice %arg3[%add3A_44] : memref<323584xi32, #tpu.memory_space<hbm>> -> memref<128xi32, #tpu.memory_space<hbm>>
        %dma_wait3A_72 = arith.constant 0 : i32
        %dma_wait3A_73 = tpu.memref_slice %arg8[%run_scoped3A_45, %dma_wait3A_72] : memref<1x128xi32, #tpu.memory_space<vmem>> -> memref<1x128xi32, #tpu.memory_space<vmem>>
        %dma_wait3A_74 = tpu.memref_squeeze %dma_wait3A_73 : memref<1x128xi32, #tpu.memory_space<vmem>> -> memref<128xi32, #tpu.memory_space<vmem>>
        %dma_wait3A_75 = tpu.memref_slice %arg3[%add3A_44] : memref<323584xi32, #tpu.memory_space<hbm>> -> memref<128xi32, #tpu.memory_space<hbm>>
        tpu.wait_dma2 semaphore(%run_scoped3A_59 : memref<!tpu.dma_semaphore, #tpu.memory_space<semaphore_mem>>) src(%dma_wait3A_75 : memref<128xi32, #tpu.memory_space<hbm>>) dst(%dma_wait3A_74 : memref<128xi32, #tpu.memory_space<vmem>>)
        tpu.yield
      }) : () -> ()
      %dma_start3A = arith.constant 0 : i32
      %dma_start3A_46 = arith.constant 0 : i32
      %dma_start3A_47 = tpu.memref_slice %arg7[%dma_start3A, %dma_start3A_46] : memref<1x128xi32, #tpu.memory_space<vmem>> -> memref<1x128xi32, #tpu.memory_space<vmem>>
      %dma_start3A_48 = tpu.memref_squeeze %dma_start3A_47 : memref<1x128xi32, #tpu.memory_space<vmem>> -> memref<128xi32, #tpu.memory_space<vmem>>
      %dma_start3A_49 = arith.constant 0 : i32
      %dma_start3A_50 = arith.constant 0 : i32
      %dma_start3A_51 = tpu.memref_slice %arg4[%dma_start3A_49, %dma_start3A_50] : memref<10240x128xf32, #tpu.memory_space<hbm>> -> memref<10240x128xf32, #tpu.memory_space<hbm>>
      tpu.enqueue_indirect_dma source(%dma_start3A_51 : memref<10240x128xf32, #tpu.memory_space<hbm>>) target(%arg9 : memref<128x128xf32, #tpu.memory_space<vmem>>) offsets(%dma_start3A_48 : memref<128xi32, #tpu.memory_space<vmem>>) semaphore(%arg11 : memref<!tpu.dma_semaphore, #tpu.memory_space<semaphore_mem>>)
      %dma_wait3A = arith.constant 0 : i32
      %dma_wait3A_52 = arith.constant 0 : i32
      %dma_wait3A_53 = tpu.memref_slice %arg7[%dma_wait3A, %dma_wait3A_52] : memref<1x128xi32, #tpu.memory_space<vmem>> -> memref<1x128xi32, #tpu.memory_space<vmem>>
      %dma_wait3A_54 = tpu.memref_squeeze %dma_wait3A_53 : memref<1x128xi32, #tpu.memory_space<vmem>> -> memref<128xi32, #tpu.memory_space<vmem>>
      %dma_wait3A_55 = arith.constant 0 : i32
      %dma_wait3A_56 = arith.constant 0 : i32
      %dma_wait3A_57 = tpu.memref_slice %arg4[%dma_wait3A_55, %dma_wait3A_56] : memref<10240x128xf32, #tpu.memory_space<hbm>> -> memref<10240x128xf32, #tpu.memory_space<hbm>>
      tpu.wait_indirect_dma semaphore(%arg11 : memref<!tpu.dma_semaphore, #tpu.memory_space<semaphore_mem>>) src(%dma_wait3A_57 : memref<10240x128xf32, #tpu.memory_space<hbm>>) dst(%arg9 : memref<128x128xf32, #tpu.memory_space<vmem>>)
      %run_scoped3A_58 = arith.constant 0 : i32
      "tpu.region"() ({
        %run_scoped3A_59 = tpu.sem_alloc : memref<!tpu.dma_semaphore, #tpu.memory_space<semaphore_mem>>
        %dma_start3A_60 = arith.constant 0 : i32
        %dma_start3A_61 = tpu.memref_slice %arg8[%run_scoped3A_58, %dma_start3A_60] : memref<1x128xi32, #tpu.memory_space<vmem>> -> memref<1x128xi32, #tpu.memory_space<vmem>>
        %dma_start3A_62 = tpu.memref_squeeze %dma_start3A_61 : memref<1x128xi32, #tpu.memory_space<vmem>> -> memref<128xi32, #tpu.memory_space<vmem>>
        %dma_start3A_63 = arith.constant 0 : i32
        %dma_start3A_64 = arith.constant 0 : i32
        %dma_start3A_65 = tpu.memref_slice %arg10[%dma_start3A_63, %dma_start3A_64] : memref<10240x128xf32, #tpu.memory_space<vmem_shared>> -> memref<10240x128xf32, #tpu.memory_space<vmem_shared>>
        tpu.enqueue_indirect_dma source(%arg9 : memref<128x128xf32, #tpu.memory_space<vmem>>) target(%dma_start3A_65 : memref<10240x128xf32, #tpu.memory_space<vmem_shared>>) offsets(%dma_start3A_62 : memref<128xi32, #tpu.memory_space<vmem>>) semaphore(%run_scoped3A_59 : memref<!tpu.dma_semaphore, #tpu.memory_space<semaphore_mem>>) {add = true}
        %dma_wait3A_66 = arith.constant 0 : i32
        %dma_wait3A_67 = tpu.memref_slice %arg8[%run_scoped3A_58, %dma_wait3A_66] : memref<1x128xi32, #tpu.memory_space<vmem>> -> memref<1x128xi32, #tpu.memory_space<vmem>>
        %dma_wait3A_68 = tpu.memref_squeeze %dma_wait3A_67 : memref<1x128xi32, #tpu.memory_space<vmem>> -> memref<128xi32, #tpu.memory_space<vmem>>
        %dma_wait3A_69 = arith.constant 0 : i32
        %dma_wait3A_70 = arith.constant 0 : i32
        %dma_wait3A_71 = tpu.memref_slice %arg10[%dma_wait3A_69, %dma_wait3A_70] : memref<10240x128xf32, #tpu.memory_space<vmem_shared>> -> memref<10240x128xf32, #tpu.memory_space<vmem_shared>>
        tpu.wait_indirect_dma semaphore(%run_scoped3A_59 : memref<!tpu.dma_semaphore, #tpu.memory_space<semaphore_mem>>) src(%arg9 : memref<128x128xf32, #tpu.memory_space<vmem>>) dst(%dma_wait3A_71 : memref<10240x128xf32, #tpu.memory_space<vmem_shared>>)
        tpu.yield
      }) : () -> ()
    }
    %scan3A_19 = arith.constant 79 : i32
    %barrier3A_20 = arith.constant 0 : index
    tpu.barrier barrier_id(%barrier3A_20)
    %add3A_21 = arith.constant 0 : i32
    %add3A_22 = arith.addi %mul3A_2, %add3A_21 : i32
    "tpu.region"() ({
      %run_scoped3A = tpu.sem_alloc : memref<!tpu.dma_semaphore, #tpu.memory_space<semaphore_mem>>
      %dma_start3A = arith.constant 0 : i32
      %dma_start3A_41 = tpu.memref_slice %arg10[%add3A_22, %dma_start3A] : memref<10240x128xf32, #tpu.memory_space<vmem_shared>> -> memref<128x128xf32, #tpu.memory_space<vmem_shared>>
      %dma_start3A_42 = arith.constant 0 : i32
      %dma_start3A_43 = tpu.memref_slice %arg10[%add3A_22, %dma_start3A_42] : memref<10240x128xf32, #tpu.memory_space<vmem_shared>> -> memref<128x128xf32, #tpu.memory_space<vmem_shared>>
      tpu.enqueue_dma source(%dma_start3A_43 : memref<128x128xf32, #tpu.memory_space<vmem_shared>>) target(%arg9 : memref<128x128xf32, #tpu.memory_space<vmem>>) target_semaphore(%run_scoped3A : memref<!tpu.dma_semaphore, #tpu.memory_space<semaphore_mem>>)
      %dma_wait3A = arith.constant 0 : i32
      %dma_wait3A_44 = tpu.memref_slice %arg10[%add3A_22, %dma_wait3A] : memref<10240x128xf32, #tpu.memory_space<vmem_shared>> -> memref<128x128xf32, #tpu.memory_space<vmem_shared>>
      %dma_wait3A_45 = arith.constant 0 : i32
      %dma_wait3A_46 = tpu.memref_slice %arg10[%add3A_22, %dma_wait3A_45] : memref<10240x128xf32, #tpu.memory_space<vmem_shared>> -> memref<128x128xf32, #tpu.memory_space<vmem_shared>>
      tpu.wait_dma2 semaphore(%run_scoped3A : memref<!tpu.dma_semaphore, #tpu.memory_space<semaphore_mem>>) src(%dma_wait3A_46 : memref<128x128xf32, #tpu.memory_space<vmem_shared>>) dst(%arg9 : memref<128x128xf32, #tpu.memory_space<vmem>>)
      tpu.yield
    }) : () -> ()
    %add3A_23 = arith.constant 0 : i32
    %add3A_24 = arith.addi %mul3A_2, %add3A_23 : i32
    "tpu.region"() ({
      %run_scoped3A = tpu.sem_alloc : memref<!tpu.dma_semaphore, #tpu.memory_space<semaphore_mem>>
      %dma_start3A = arith.constant 0 : i32
      %dma_start3A_41 = tpu.memref_slice %arg6[%arg0, %add3A_24, %dma_start3A] : memref<2x10240x128xf32, #tpu.memory_space<hbm>> -> memref<1x128x128xf32, #tpu.memory_space<hbm>>
      %dma_start3A_42 = tpu.memref_squeeze %dma_start3A_41 : memref<1x128x128xf32, #tpu.memory_space<hbm>> -> memref<128x128xf32, #tpu.memory_space<hbm>>
      %dma_start3A_43 = arith.constant 0 : i32
      %dma_start3A_44 = tpu.memref_slice %arg6[%arg0, %add3A_24, %dma_start3A_43] : memref<2x10240x128xf32, #tpu.memory_space<hbm>> -> memref<1x128x128xf32, #tpu.memory_space<hbm>>
      %dma_start3A_45 = tpu.memref_squeeze %dma_start3A_44 : memref<1x128x128xf32, #tpu.memory_space<hbm>> -> memref<128x128xf32, #tpu.memory_space<hbm>>
      tpu.enqueue_dma source(%arg9 : memref<128x128xf32, #tpu.memory_space<vmem>>) target(%dma_start3A_45 : memref<128x128xf32, #tpu.memory_space<hbm>>) target_semaphore(%run_scoped3A : memref<!tpu.dma_semaphore, #tpu.memory_space<semaphore_mem>>)
      %dma_wait3A = arith.constant 0 : i32
      %dma_wait3A_46 = tpu.memref_slice %arg6[%arg0, %add3A_24, %dma_wait3A] : memref<2x10240x128xf32, #tpu.memory_space<hbm>> -> memref<1x128x128xf32, #tpu.memory_space<hbm>>
      %dma_wait3A_47 = tpu.memref_squeeze %dma_wait3A_46 : memref<1x128x128xf32, #tpu.memory_space<hbm>> -> memref<128x128xf32, #tpu.memory_space<hbm>>
      %dma_wait3A_48 = arith.constant 0 : i32
      %dma_wait3A_49 = tpu.memref_slice %arg6[%arg0, %add3A_24, %dma_wait3A_48] : memref<2x10240x128xf32, #tpu.memory_space<hbm>> -> memref<1x128x128xf32, #tpu.memory_space<hbm>>
      %dma_wait3A_50 = tpu.memref_squeeze %dma_wait3A_49 : memref<1x128x128xf32, #tpu.memory_space<hbm>> -> memref<128x128xf32, #tpu.memory_space<hbm>>
      tpu.wait_dma2 semaphore(%run_scoped3A : memref<!tpu.dma_semaphore, #tpu.memory_space<semaphore_mem>>) src(%arg9 : memref<128x128xf32, #tpu.memory_space<vmem>>) dst(%dma_wait3A_50 : memref<128x128xf32, #tpu.memory_space<hbm>>)
      tpu.yield
    }) : () -> ()
    %add3A_25 = arith.constant 128 : i32
    %add3A_26 = arith.addi %mul3A_2, %add3A_25 : i32
    "tpu.region"() ({
      %run_scoped3A = tpu.sem_alloc : memref<!tpu.dma_semaphore, #tpu.memory_space<semaphore_mem>>
      %dma_start3A = arith.constant 0 : i32
      %dma_start3A_41 = tpu.memref_slice %arg10[%add3A_26, %dma_start3A] : memref<10240x128xf32, #tpu.memory_space<vmem_shared>> -> memref<128x128xf32, #tpu.memory_space<vmem_shared>>
      %dma_start3A_42 = arith.constant 0 : i32
      %dma_start3A_43 = tpu.memref_slice %arg10[%add3A_26, %dma_start3A_42] : memref<10240x128xf32, #tpu.memory_space<vmem_shared>> -> memref<128x128xf32, #tpu.memory_space<vmem_shared>>
      tpu.enqueue_dma source(%dma_start3A_43 : memref<128x128xf32, #tpu.memory_space<vmem_shared>>) target(%arg9 : memref<128x128xf32, #tpu.memory_space<vmem>>) target_semaphore(%run_scoped3A : memref<!tpu.dma_semaphore, #tpu.memory_space<semaphore_mem>>)
      %dma_wait3A = arith.constant 0 : i32
      %dma_wait3A_44 = tpu.memref_slice %arg10[%add3A_26, %dma_wait3A] : memref<10240x128xf32, #tpu.memory_space<vmem_shared>> -> memref<128x128xf32, #tpu.memory_space<vmem_shared>>
      %dma_wait3A_45 = arith.constant 0 : i32
      %dma_wait3A_46 = tpu.memref_slice %arg10[%add3A_26, %dma_wait3A_45] : memref<10240x128xf32, #tpu.memory_space<vmem_shared>> -> memref<128x128xf32, #tpu.memory_space<vmem_shared>>
      tpu.wait_dma2 semaphore(%run_scoped3A : memref<!tpu.dma_semaphore, #tpu.memory_space<semaphore_mem>>) src(%dma_wait3A_46 : memref<128x128xf32, #tpu.memory_space<vmem_shared>>) dst(%arg9 : memref<128x128xf32, #tpu.memory_space<vmem>>)
      tpu.yield
    }) : () -> ()
    %add3A_27 = arith.constant 128 : i32
    %add3A_28 = arith.addi %mul3A_2, %add3A_27 : i32
    "tpu.region"() ({
      %run_scoped3A = tpu.sem_alloc : memref<!tpu.dma_semaphore, #tpu.memory_space<semaphore_mem>>
      %dma_start3A = arith.constant 0 : i32
      %dma_start3A_41 = tpu.memref_slice %arg6[%arg0, %add3A_28, %dma_start3A] : memref<2x10240x128xf32, #tpu.memory_space<hbm>> -> memref<1x128x128xf32, #tpu.memory_space<hbm>>
      %dma_start3A_42 = tpu.memref_squeeze %dma_start3A_41 : memref<1x128x128xf32, #tpu.memory_space<hbm>> -> memref<128x128xf32, #tpu.memory_space<hbm>>
      %dma_start3A_43 = arith.constant 0 : i32
      %dma_start3A_44 = tpu.memref_slice %arg6[%arg0, %add3A_28, %dma_start3A_43] : memref<2x10240x128xf32, #tpu.memory_space<hbm>> -> memref<1x128x128xf32, #tpu.memory_space<hbm>>
      %dma_start3A_45 = tpu.memref_squeeze %dma_start3A_44 : memref<1x128x128xf32, #tpu.memory_space<hbm>> -> memref<128x128xf32, #tpu.memory_space<hbm>>
      tpu.enqueue_dma source(%arg9 : memref<128x128xf32, #tpu.memory_space<vmem>>) target(%dma_start3A_45 : memref<128x128xf32, #tpu.memory_space<hbm>>) target_semaphore(%run_scoped3A : memref<!tpu.dma_semaphore, #tpu.memory_space<semaphore_mem>>)
      %dma_wait3A = arith.constant 0 : i32
      %dma_wait3A_46 = tpu.memref_slice %arg6[%arg0, %add3A_28, %dma_wait3A] : memref<2x10240x128xf32, #tpu.memory_space<hbm>> -> memref<1x128x128xf32, #tpu.memory_space<hbm>>
      %dma_wait3A_47 = tpu.memref_squeeze %dma_wait3A_46 : memref<1x128x128xf32, #tpu.memory_space<hbm>> -> memref<128x128xf32, #tpu.memory_space<hbm>>
      %dma_wait3A_48 = arith.constant 0 : i32
      %dma_wait3A_49 = tpu.memref_slice %arg6[%arg0, %add3A_28, %dma_wait3A_48] : memref<2x10240x128xf32, #tpu.memory_space<hbm>> -> memref<1x128x128xf32, #tpu.memory_space<hbm>>
      %dma_wait3A_50 = tpu.memref_squeeze %dma_wait3A_49 : memref<1x128x128xf32, #tpu.memory_space<hbm>> -> memref<128x128xf32, #tpu.memory_space<hbm>>
      tpu.wait_dma2 semaphore(%run_scoped3A : memref<!tpu.dma_semaphore, #tpu.memory_space<semaphore_mem>>) src(%arg9 : memref<128x128xf32, #tpu.memory_space<vmem>>) dst(%dma_wait3A_50 : memref<128x128xf32, #tpu.memory_space<hbm>>)
      tpu.yield
    }) : () -> ()
    %add3A_29 = arith.constant 256 : i32
    %add3A_30 = arith.addi %mul3A_2, %add3A_29 : i32
    "tpu.region"() ({
      %run_scoped3A = tpu.sem_alloc : memref<!tpu.dma_semaphore, #tpu.memory_space<semaphore_mem>>
      %dma_start3A = arith.constant 0 : i32
      %dma_start3A_41 = tpu.memref_slice %arg10[%add3A_30, %dma_start3A] : memref<10240x128xf32, #tpu.memory_space<vmem_shared>> -> memref<128x128xf32, #tpu.memory_space<vmem_shared>>
      %dma_start3A_42 = arith.constant 0 : i32
      %dma_start3A_43 = tpu.memref_slice %arg10[%add3A_30, %dma_start3A_42] : memref<10240x128xf32, #tpu.memory_space<vmem_shared>> -> memref<128x128xf32, #tpu.memory_space<vmem_shared>>
      tpu.enqueue_dma source(%dma_start3A_43 : memref<128x128xf32, #tpu.memory_space<vmem_shared>>) target(%arg9 : memref<128x128xf32, #tpu.memory_space<vmem>>) target_semaphore(%run_scoped3A : memref<!tpu.dma_semaphore, #tpu.memory_space<semaphore_mem>>)
      %dma_wait3A = arith.constant 0 : i32
      %dma_wait3A_44 = tpu.memref_slice %arg10[%add3A_30, %dma_wait3A] : memref<10240x128xf32, #tpu.memory_space<vmem_shared>> -> memref<128x128xf32, #tpu.memory_space<vmem_shared>>
      %dma_wait3A_45 = arith.constant 0 : i32
      %dma_wait3A_46 = tpu.memref_slice %arg10[%add3A_30, %dma_wait3A_45] : memref<10240x128xf32, #tpu.memory_space<vmem_shared>> -> memref<128x128xf32, #tpu.memory_space<vmem_shared>>
      tpu.wait_dma2 semaphore(%run_scoped3A : memref<!tpu.dma_semaphore, #tpu.memory_space<semaphore_mem>>) src(%dma_wait3A_46 : memref<128x128xf32, #tpu.memory_space<vmem_shared>>) dst(%arg9 : memref<128x128xf32, #tpu.memory_space<vmem>>)
      tpu.yield
    }) : () -> ()
    %add3A_31 = arith.constant 256 : i32
    %add3A_32 = arith.addi %mul3A_2, %add3A_31 : i32
    "tpu.region"() ({
      %run_scoped3A = tpu.sem_alloc : memref<!tpu.dma_semaphore, #tpu.memory_space<semaphore_mem>>
      %dma_start3A = arith.constant 0 : i32
      %dma_start3A_41 = tpu.memref_slice %arg6[%arg0, %add3A_32, %dma_start3A] : memref<2x10240x128xf32, #tpu.memory_space<hbm>> -> memref<1x128x128xf32, #tpu.memory_space<hbm>>
      %dma_start3A_42 = tpu.memref_squeeze %dma_start3A_41 : memref<1x128x128xf32, #tpu.memory_space<hbm>> -> memref<128x128xf32, #tpu.memory_space<hbm>>
      %dma_start3A_43 = arith.constant 0 : i32
      %dma_start3A_44 = tpu.memref_slice %arg6[%arg0, %add3A_32, %dma_start3A_43] : memref<2x10240x128xf32, #tpu.memory_space<hbm>> -> memref<1x128x128xf32, #tpu.memory_space<hbm>>
      %dma_start3A_45 = tpu.memref_squeeze %dma_start3A_44 : memref<1x128x128xf32, #tpu.memory_space<hbm>> -> memref<128x128xf32, #tpu.memory_space<hbm>>
      tpu.enqueue_dma source(%arg9 : memref<128x128xf32, #tpu.memory_space<vmem>>) target(%dma_start3A_45 : memref<128x128xf32, #tpu.memory_space<hbm>>) target_semaphore(%run_scoped3A : memref<!tpu.dma_semaphore, #tpu.memory_space<semaphore_mem>>)
      %dma_wait3A = arith.constant 0 : i32
      %dma_wait3A_46 = tpu.memref_slice %arg6[%arg0, %add3A_32, %dma_wait3A] : memref<2x10240x128xf32, #tpu.memory_space<hbm>> -> memref<1x128x128xf32, #tpu.memory_space<hbm>>
      %dma_wait3A_47 = tpu.memref_squeeze %dma_wait3A_46 : memref<1x128x128xf32, #tpu.memory_space<hbm>> -> memref<128x128xf32, #tpu.memory_space<hbm>>
      %dma_wait3A_48 = arith.constant 0 : i32
      %dma_wait3A_49 = tpu.memref_slice %arg6[%arg0, %add3A_32, %dma_wait3A_48] : memref<2x10240x128xf32, #tpu.memory_space<hbm>> -> memref<1x128x128xf32, #tpu.memory_space<hbm>>
      %dma_wait3A_50 = tpu.memref_squeeze %dma_wait3A_49 : memref<1x128x128xf32, #tpu.memory_space<hbm>> -> memref<128x128xf32, #tpu.memory_space<hbm>>
      tpu.wait_dma2 semaphore(%run_scoped3A : memref<!tpu.dma_semaphore, #tpu.memory_space<semaphore_mem>>) src(%arg9 : memref<128x128xf32, #tpu.memory_space<vmem>>) dst(%dma_wait3A_50 : memref<128x128xf32, #tpu.memory_space<hbm>>)
      tpu.yield
    }) : () -> ()
    %add3A_33 = arith.constant 384 : i32
    %add3A_34 = arith.addi %mul3A_2, %add3A_33 : i32
    "tpu.region"() ({
      %run_scoped3A = tpu.sem_alloc : memref<!tpu.dma_semaphore, #tpu.memory_space<semaphore_mem>>
      %dma_start3A = arith.constant 0 : i32
      %dma_start3A_41 = tpu.memref_slice %arg10[%add3A_34, %dma_start3A] : memref<10240x128xf32, #tpu.memory_space<vmem_shared>> -> memref<128x128xf32, #tpu.memory_space<vmem_shared>>
      %dma_start3A_42 = arith.constant 0 : i32
      %dma_start3A_43 = tpu.memref_slice %arg10[%add3A_34, %dma_start3A_42] : memref<10240x128xf32, #tpu.memory_space<vmem_shared>> -> memref<128x128xf32, #tpu.memory_space<vmem_shared>>
      tpu.enqueue_dma source(%dma_start3A_43 : memref<128x128xf32, #tpu.memory_space<vmem_shared>>) target(%arg9 : memref<128x128xf32, #tpu.memory_space<vmem>>) target_semaphore(%run_scoped3A : memref<!tpu.dma_semaphore, #tpu.memory_space<semaphore_mem>>)
      %dma_wait3A = arith.constant 0 : i32
      %dma_wait3A_44 = tpu.memref_slice %arg10[%add3A_34, %dma_wait3A] : memref<10240x128xf32, #tpu.memory_space<vmem_shared>> -> memref<128x128xf32, #tpu.memory_space<vmem_shared>>
      %dma_wait3A_45 = arith.constant 0 : i32
      %dma_wait3A_46 = tpu.memref_slice %arg10[%add3A_34, %dma_wait3A_45] : memref<10240x128xf32, #tpu.memory_space<vmem_shared>> -> memref<128x128xf32, #tpu.memory_space<vmem_shared>>
      tpu.wait_dma2 semaphore(%run_scoped3A : memref<!tpu.dma_semaphore, #tpu.memory_space<semaphore_mem>>) src(%dma_wait3A_46 : memref<128x128xf32, #tpu.memory_space<vmem_shared>>) dst(%arg9 : memref<128x128xf32, #tpu.memory_space<vmem>>)
      tpu.yield
    }) : () -> ()
    %add3A_35 = arith.constant 384 : i32
    %add3A_36 = arith.addi %mul3A_2, %add3A_35 : i32
    "tpu.region"() ({
      %run_scoped3A = tpu.sem_alloc : memref<!tpu.dma_semaphore, #tpu.memory_space<semaphore_mem>>
      %dma_start3A = arith.constant 0 : i32
      %dma_start3A_41 = tpu.memref_slice %arg6[%arg0, %add3A_36, %dma_start3A] : memref<2x10240x128xf32, #tpu.memory_space<hbm>> -> memref<1x128x128xf32, #tpu.memory_space<hbm>>
      %dma_start3A_42 = tpu.memref_squeeze %dma_start3A_41 : memref<1x128x128xf32, #tpu.memory_space<hbm>> -> memref<128x128xf32, #tpu.memory_space<hbm>>
      %dma_start3A_43 = arith.constant 0 : i32
      %dma_start3A_44 = tpu.memref_slice %arg6[%arg0, %add3A_36, %dma_start3A_43] : memref<2x10240x128xf32, #tpu.memory_space<hbm>> -> memref<1x128x128xf32, #tpu.memory_space<hbm>>
      %dma_start3A_45 = tpu.memref_squeeze %dma_start3A_44 : memref<1x128x128xf32, #tpu.memory_space<hbm>> -> memref<128x128xf32, #tpu.memory_space<hbm>>
      tpu.enqueue_dma source(%arg9 : memref<128x128xf32, #tpu.memory_space<vmem>>) target(%dma_start3A_45 : memref<128x128xf32, #tpu.memory_space<hbm>>) target_semaphore(%run_scoped3A : memref<!tpu.dma_semaphore, #tpu.memory_space<semaphore_mem>>)
      %dma_wait3A = arith.constant 0 : i32
      %dma_wait3A_46 = tpu.memref_slice %arg6[%arg0, %add3A_36, %dma_wait3A] : memref<2x10240x128xf32, #tpu.memory_space<hbm>> -> memref<1x128x128xf32, #tpu.memory_space<hbm>>
      %dma_wait3A_47 = tpu.memref_squeeze %dma_wait3A_46 : memref<1x128x128xf32, #tpu.memory_space<hbm>> -> memref<128x128xf32, #tpu.memory_space<hbm>>
      %dma_wait3A_48 = arith.constant 0 : i32
      %dma_wait3A_49 = tpu.memref_slice %arg6[%arg0, %add3A_36, %dma_wait3A_48] : memref<2x10240x128xf32, #tpu.memory_space<hbm>> -> memref<1x128x128xf32, #tpu.memory_space<hbm>>
      %dma_wait3A_50 = tpu.memref_squeeze %dma_wait3A_49 : memref<1x128x128xf32, #tpu.memory_space<hbm>> -> memref<128x128xf32, #tpu.memory_space<hbm>>
      tpu.wait_dma2 semaphore(%run_scoped3A : memref<!tpu.dma_semaphore, #tpu.memory_space<semaphore_mem>>) src(%arg9 : memref<128x128xf32, #tpu.memory_space<vmem>>) dst(%dma_wait3A_50 : memref<128x128xf32, #tpu.memory_space<hbm>>)
      tpu.yield
    }) : () -> ()
    %add3A_37 = arith.constant 512 : i32
    %add3A_38 = arith.addi %mul3A_2, %add3A_37 : i32
    "tpu.region"() ({
      %run_scoped3A = tpu.sem_alloc : memref<!tpu.dma_semaphore, #tpu.memory_space<semaphore_mem>>
      %dma_start3A = arith.constant 0 : i32
      %dma_start3A_41 = tpu.memref_slice %arg10[%add3A_38, %dma_start3A] : memref<10240x128xf32, #tpu.memory_space<vmem_shared>> -> memref<128x128xf32, #tpu.memory_space<vmem_shared>>
      %dma_start3A_42 = arith.constant 0 : i32
      %dma_start3A_43 = tpu.memref_slice %arg10[%add3A_38, %dma_start3A_42] : memref<10240x128xf32, #tpu.memory_space<vmem_shared>> -> memref<128x128xf32, #tpu.memory_space<vmem_shared>>
      tpu.enqueue_dma source(%dma_start3A_43 : memref<128x128xf32, #tpu.memory_space<vmem_shared>>) target(%arg9 : memref<128x128xf32, #tpu.memory_space<vmem>>) target_semaphore(%run_scoped3A : memref<!tpu.dma_semaphore, #tpu.memory_space<semaphore_mem>>)
      %dma_wait3A = arith.constant 0 : i32
      %dma_wait3A_44 = tpu.memref_slice %arg10[%add3A_38, %dma_wait3A] : memref<10240x128xf32, #tpu.memory_space<vmem_shared>> -> memref<128x128xf32, #tpu.memory_space<vmem_shared>>
      %dma_wait3A_45 = arith.constant 0 : i32
      %dma_wait3A_46 = tpu.memref_slice %arg10[%add3A_38, %dma_wait3A_45] : memref<10240x128xf32, #tpu.memory_space<vmem_shared>> -> memref<128x128xf32, #tpu.memory_space<vmem_shared>>
      tpu.wait_dma2 semaphore(%run_scoped3A : memref<!tpu.dma_semaphore, #tpu.memory_space<semaphore_mem>>) src(%dma_wait3A_46 : memref<128x128xf32, #tpu.memory_space<vmem_shared>>) dst(%arg9 : memref<128x128xf32, #tpu.memory_space<vmem>>)
      tpu.yield
    }) : () -> ()
    %add3A_39 = arith.constant 512 : i32
    %add3A_40 = arith.addi %mul3A_2, %add3A_39 : i32
    "tpu.region"() ({
      %run_scoped3A = tpu.sem_alloc : memref<!tpu.dma_semaphore, #tpu.memory_space<semaphore_mem>>
      %dma_start3A = arith.constant 0 : i32
      %dma_start3A_41 = tpu.memref_slice %arg6[%arg0, %add3A_40, %dma_start3A] : memref<2x10240x128xf32, #tpu.memory_space<hbm>> -> memref<1x128x128xf32, #tpu.memory_space<hbm>>
      %dma_start3A_42 = tpu.memref_squeeze %dma_start3A_41 : memref<1x128x128xf32, #tpu.memory_space<hbm>> -> memref<128x128xf32, #tpu.memory_space<hbm>>
      %dma_start3A_43 = arith.constant 0 : i32
      %dma_start3A_44 = tpu.memref_slice %arg6[%arg0, %add3A_40, %dma_start3A_43] : memref<2x10240x128xf32, #tpu.memory_space<hbm>> -> memref<1x128x128xf32, #tpu.memory_space<hbm>>
      %dma_start3A_45 = tpu.memref_squeeze %dma_start3A_44 : memref<1x128x128xf32, #tpu.memory_space<hbm>> -> memref<128x128xf32, #tpu.memory_space<hbm>>
      tpu.enqueue_dma source(%arg9 : memref<128x128xf32, #tpu.memory_space<vmem>>) target(%dma_start3A_45 : memref<128x128xf32, #tpu.memory_space<hbm>>) target_semaphore(%run_scoped3A : memref<!tpu.dma_semaphore, #tpu.memory_space<semaphore_mem>>)
      %dma_wait3A = arith.constant 0 : i32
      %dma_wait3A_46 = tpu.memref_slice %arg6[%arg0, %add3A_40, %dma_wait3A] : memref<2x10240x128xf32, #tpu.memory_space<hbm>> -> memref<1x128x128xf32, #tpu.memory_space<hbm>>
      %dma_wait3A_47 = tpu.memref_squeeze %dma_wait3A_46 : memref<1x128x128xf32, #tpu.memory_space<hbm>> -> memref<128x128xf32, #tpu.memory_space<hbm>>
      %dma_wait3A_48 = arith.constant 0 : i32
      %dma_wait3A_49 = tpu.memref_slice %arg6[%arg0, %add3A_40, %dma_wait3A_48] : memref<2x10240x128xf32, #tpu.memory_space<hbm>> -> memref<1x128x128xf32, #tpu.memory_space<hbm>>
      %dma_wait3A_50 = tpu.memref_squeeze %dma_wait3A_49 : memref<1x128x128xf32, #tpu.memory_space<hbm>> -> memref<128x128xf32, #tpu.memory_space<hbm>>
      tpu.wait_dma2 semaphore(%run_scoped3A : memref<!tpu.dma_semaphore, #tpu.memory_space<semaphore_mem>>) src(%arg9 : memref<128x128xf32, #tpu.memory_space<vmem>>) dst(%dma_wait3A_50 : memref<128x128xf32, #tpu.memory_space<hbm>>)
      tpu.yield
    }) : () -> ()
    return
  }
}

module attributes {stable_mosaic.version = 14 : i64} {
  func.func @_scale_body(%arg0: i32, %arg1: memref<640x128xf32, #tpu.memory_space<vmem>>, %arg2: memref<1x640x16xf32, #tpu.memory_space<vmem>>, %arg3: memref<1x640x16xf32, #tpu.memory_space<vmem>>, %arg4: memref<640x128xf32, #tpu.memory_space<vmem>>) attributes {dimension_semantics = [#tpu.dimension_semantics<arbitrary>], iteration_bounds = array<i64: 16>, scalar_prefetch = 0 : i64, scratch_operands = 0 : i64, tpu.core_type = #tpu.core_type<tc>, window_params = [{transform_indices = @transform_0, window_bounds = array<i64: 640, 128>}, {transform_indices = @transform_1, window_bounds = array<i64: 1, 640, 16>}, {transform_indices = @transform_2, window_bounds = array<i64: 1, 640, 16>}, {transform_indices = @transform_3, window_bounds = array<i64: 640, 128>}]} {
    %get3A = arith.constant 0 : index
    %get3A_0 = arith.constant 0 : index
    %get3A_1 = arith.constant 0 : index
    %get3A_2 = vector.load %arg2[%get3A, %get3A_0, %get3A_1] : memref<1x640x16xf32, #tpu.memory_space<vmem>>, vector<1x640x16xf32>
    %get3A_3 = arith.constant 0 : index
    %get3A_4 = arith.constant 0 : index
    %get3A_5 = arith.constant 0 : index
    %get3A_6 = vector.load %arg3[%get3A_3, %get3A_4, %get3A_5] : memref<1x640x16xf32, #tpu.memory_space<vmem>>, vector<1x640x16xf32>
    %slice3A = vector.extract_strided_slice %get3A_2 {offsets = [0, 0, 0], sizes = [1, 640, 1], strides = [1, 1, 1]} : vector<1x640x16xf32> to vector<1x640x1xf32>
    %squeeze3A = vector.shape_cast %slice3A : vector<1x640x1xf32> to vector<640x1xf32>
    %slice3A_7 = vector.extract_strided_slice %get3A_6 {offsets = [0, 0, 0], sizes = [1, 640, 1], strides = [1, 1, 1]} : vector<1x640x16xf32> to vector<1x640x1xf32>
    %squeeze3A_8 = vector.shape_cast %slice3A_7 : vector<1x640x1xf32> to vector<640x1xf32>
    %add3A = arith.addf %squeeze3A, %squeeze3A_8 : vector<640x1xf32>
    %max3A = arith.constant 1.000000e+00 : f32
    %max3A_9 = vector.broadcast %max3A : f32 to vector<640x1xf32>
    %max3A_10 = arith.maximumf %add3A, %max3A_9 : vector<640x1xf32>
    %rsqrt3A = math.rsqrt %max3A_10 : vector<640x1xf32>
    %get3A_11 = arith.constant 0 : index
    %get3A_12 = arith.constant 0 : index
    %get3A_13 = vector.load %arg1[%get3A_11, %get3A_12] : memref<640x128xf32, #tpu.memory_space<vmem>>, vector<640x128xf32>
    %mul3A = vector.broadcast %rsqrt3A : vector<640x1xf32> to vector<640x128xf32>
    %mul3A_14 = arith.mulf %get3A_13, %mul3A : vector<640x128xf32>
    %swap3A = arith.constant 0 : index
    %swap3A_15 = arith.constant 0 : index
    %swap3A_16 = vector.load %arg4[%swap3A, %swap3A_15] : memref<640x128xf32, #tpu.memory_space<vmem>>, vector<640x128xf32>
    tpu.vector_store %arg4[%swap3A, %swap3A_15], %mul3A_14 {strides = array<i32>} : memref<640x128xf32, #tpu.memory_space<vmem>>, vector<640x128xf32>,
    return
  }
  func.func @transform_0(%arg0: i32) -> (i32, i32) {
    %c0_i32 = arith.constant 0 : i32
    %c0_i32_0 = arith.constant 0 : i32
    return %arg0, %c0_i32 : i32, i32
  }
  func.func @transform_1(%arg0: i32) -> (i32, i32, i32) {
    %c0_i32 = arith.constant 0 : i32
    %c0_i32_0 = arith.constant 0 : i32
    %c0_i32_1 = arith.constant 0 : i32
    return %c0_i32, %arg0, %c0_i32_0 : i32, i32, i32
  }
  func.func @transform_2(%arg0: i32) -> (i32, i32, i32) {
    %c1_i32 = arith.constant 1 : i32
    %c0_i32 = arith.constant 0 : i32
    %c0_i32_0 = arith.constant 0 : i32
    return %c1_i32, %arg0, %c0_i32 : i32, i32, i32
  }
  func.func @transform_3(%arg0: i32) -> (i32, i32) {
    %c0_i32 = arith.constant 0 : i32
    %c0_i32_0 = arith.constant 0 : i32
    return %arg0, %c0_i32 : i32, i32
  }
}

module attributes {stable_mosaic.version = 14 : i64} {
  func.func @_layer_body(%arg0: i32, %arg1: memref<1x640x128xf32, #tpu.memory_space<vmem>>, %arg2: memref<1x640x128xf32, #tpu.memory_space<vmem>>, %arg3: memref<1x640x16xf32, #tpu.memory_space<vmem>>, %arg4: memref<1x640x16xf32, #tpu.memory_space<vmem>>, %arg5: memref<1x640x16xf32, #tpu.memory_space<vmem>>, %arg6: memref<1x640x16xf32, #tpu.memory_space<vmem>>, %arg7: memref<128x128xf32, #tpu.memory_space<vmem>>, %arg8: memref<1x128xf32, #tpu.memory_space<vmem>>, %arg9: memref<640x128xf32, #tpu.memory_space<vmem>>) attributes {dimension_semantics = [#tpu.dimension_semantics<arbitrary>], iteration_bounds = array<i64: 16>, scalar_prefetch = 0 : i64, scratch_operands = 0 : i64, tpu.core_type = #tpu.core_type<tc>, window_params = [{transform_indices = @transform_0, window_bounds = array<i64: 1, 640, 128>}, {transform_indices = @transform_1, window_bounds = array<i64: 1, 640, 128>}, {transform_indices = @transform_2, window_bounds = array<i64: 1, 640, 16>}, {transform_indices = @transform_3, window_bounds = array<i64: 1, 640, 16>}, {transform_indices = @transform_4, window_bounds = array<i64: 1, 640, 16>}, {transform_indices = @transform_5, window_bounds = array<i64: 1, 640, 16>}, {pipeline_mode = #tpu.pipeline_mode<synchronous>, transform_indices = @transform_6, window_bounds = array<i64: 128, 128>}, {pipeline_mode = #tpu.pipeline_mode<synchronous>, transform_indices = @transform_7, window_bounds = array<i64: 1, 128>}, {transform_indices = @transform_8, window_bounds = array<i64: 640, 128>}]} {
    %get3A = arith.constant 0 : index
    %get3A_0 = arith.constant 0 : index
    %get3A_1 = arith.constant 0 : index
    %get3A_2 = vector.load %arg3[%get3A, %get3A_0, %get3A_1] : memref<1x640x16xf32, #tpu.memory_space<vmem>>, vector<1x640x16xf32>
    %get3A_3 = arith.constant 0 : index
    %get3A_4 = arith.constant 0 : index
    %get3A_5 = arith.constant 0 : index
    %get3A_6 = vector.load %arg4[%get3A_3, %get3A_4, %get3A_5] : memref<1x640x16xf32, #tpu.memory_space<vmem>>, vector<1x640x16xf32>
    %slice3A = vector.extract_strided_slice %get3A_2 {offsets = [0, 0, 0], sizes = [1, 640, 1], strides = [1, 1, 1]} : vector<1x640x16xf32> to vector<1x640x1xf32>
    %squeeze3A = vector.shape_cast %slice3A : vector<1x640x1xf32> to vector<640x1xf32>
    %slice3A_7 = vector.extract_strided_slice %get3A_6 {offsets = [0, 0, 0], sizes = [1, 640, 1], strides = [1, 1, 1]} : vector<1x640x16xf32> to vector<1x640x1xf32>
    %squeeze3A_8 = vector.shape_cast %slice3A_7 : vector<1x640x1xf32> to vector<640x1xf32>
    %add3A = arith.addf %squeeze3A, %squeeze3A_8 : vector<640x1xf32>
    %max3A = arith.constant 1.000000e+00 : f32
    %max3A_9 = vector.broadcast %max3A : f32 to vector<640x1xf32>
    %max3A_10 = arith.maximumf %add3A, %max3A_9 : vector<640x1xf32>
    %rsqrt3A = math.rsqrt %max3A_10 : vector<640x1xf32>
    %get3A_11 = arith.constant 0 : index
    %get3A_12 = arith.constant 0 : index
    %get3A_13 = arith.constant 0 : index
    %get3A_14 = vector.load %arg1[%get3A_11, %get3A_12, %get3A_13] : memref<1x640x128xf32, #tpu.memory_space<vmem>>, vector<1x640x128xf32>
    %get3A_15 = vector.shape_cast %get3A_14 : vector<1x640x128xf32> to vector<640x128xf32>
    %get3A_16 = arith.constant 0 : index
    %get3A_17 = arith.constant 0 : index
    %get3A_18 = arith.constant 0 : index
    %get3A_19 = vector.load %arg2[%get3A_16, %get3A_17, %get3A_18] : memref<1x640x128xf32, #tpu.memory_space<vmem>>, vector<1x640x128xf32>
    %get3A_20 = vector.shape_cast %get3A_19 : vector<1x640x128xf32> to vector<640x128xf32>
    %add3A_21 = arith.addf %get3A_15, %get3A_20 : vector<640x128xf32>
    %mul3A = vector.broadcast %rsqrt3A : vector<640x1xf32> to vector<640x128xf32>
    %mul3A_22 = arith.mulf %add3A_21, %mul3A : vector<640x128xf32>
    %get3A_23 = arith.constant 0 : index
    %get3A_24 = arith.constant 0 : index
    %get3A_25 = vector.load %arg7[%get3A_23, %get3A_24] : memref<128x128xf32, #tpu.memory_space<vmem>>, vector<128x128xf32>
    %dot_general3A = arith.constant dense<0.000000e+00> : vector<640x128xf32>
    %dot_general3A_26 = tpu.matmul %mul3A_22, %get3A_25, %dot_general3A {dimension_numbers = #tpu.dot_dimension_numbers<[1], [0], [0], [1], [0, 0, 1, 1], [], []>, transpose_lhs_hint = false} : vector<640x128xf32>, vector<128x128xf32>, vector<640x128xf32> -> vector<640x128xf32>
    %get3A_27 = arith.constant 0 : index
    %get3A_28 = arith.constant 0 : index
    %get3A_29 = vector.load %arg8[%get3A_27, %get3A_28] : memref<1x128xf32, #tpu.memory_space<vmem>>, vector<1x128xf32>
    %add3A_30 = vector.broadcast %get3A_29 : vector<1x128xf32> to vector<640x128xf32>
    %add3A_31 = arith.addf %dot_general3A_26, %add3A_30 : vector<640x128xf32>
    %max3A_32 = arith.constant 0.000000e+00 : f32
    %max3A_33 = vector.broadcast %max3A_32 : f32 to vector<640x128xf32>
    %max3A_34 = arith.maximumf %add3A_31, %max3A_33 : vector<640x128xf32>
    %get3A_35 = arith.constant 0 : index
    %get3A_36 = arith.constant 0 : index
    %get3A_37 = arith.constant 0 : index
    %get3A_38 = vector.load %arg5[%get3A_35, %get3A_36, %get3A_37] : memref<1x640x16xf32, #tpu.memory_space<vmem>>, vector<1x640x16xf32>
    %get3A_39 = arith.constant 0 : index
    %get3A_40 = arith.constant 0 : index
    %get3A_41 = arith.constant 0 : index
    %get3A_42 = vector.load %arg6[%get3A_39, %get3A_40, %get3A_41] : memref<1x640x16xf32, #tpu.memory_space<vmem>>, vector<1x640x16xf32>
    %slice3A_43 = vector.extract_strided_slice %get3A_38 {offsets = [0, 0, 0], sizes = [1, 640, 1], strides = [1, 1, 1]} : vector<1x640x16xf32> to vector<1x640x1xf32>
    %squeeze3A_44 = vector.shape_cast %slice3A_43 : vector<1x640x1xf32> to vector<640x1xf32>
    %slice3A_45 = vector.extract_strided_slice %get3A_42 {offsets = [0, 0, 0], sizes = [1, 640, 1], strides = [1, 1, 1]} : vector<1x640x16xf32> to vector<1x640x1xf32>
    %squeeze3A_46 = vector.shape_cast %slice3A_45 : vector<1x640x1xf32> to vector<640x1xf32>
    %add3A_47 = arith.addf %squeeze3A_44, %squeeze3A_46 : vector<640x1xf32>
    %max3A_48 = arith.constant 1.000000e+00 : f32
    %max3A_49 = vector.broadcast %max3A_48 : f32 to vector<640x1xf32>
    %max3A_50 = arith.maximumf %add3A_47, %max3A_49 : vector<640x1xf32>
    %rsqrt3A_51 = math.rsqrt %max3A_50 : vector<640x1xf32>
    %mul3A_52 = arith.constant 640 : i32
    %mul3A_53 = arith.muli %arg0, %mul3A_52 : i32
    %iota3A = tpu.iota {dimensions = array<i32: 0>} : vector<640x1xi32>
    %add3A_54 = vector.broadcast %mul3A_53 : i32 to vector<640x1xi32>
    %add3A_55 = arith.addi %add3A_54, %iota3A : vector<640x1xi32>
    %lt3A = arith.constant 10000 : i32
    %lt3A_56 = vector.broadcast %lt3A : i32 to vector<640x1xi32>
    %lt3A_57 = arith.cmpi slt, %add3A_55, %lt3A_56 : vector<640x1xi32>
    %mul3A_58 = vector.broadcast %rsqrt3A_51 : vector<640x1xf32> to vector<640x128xf32>
    %mul3A_59 = arith.mulf %max3A_34, %mul3A_58 : vector<640x128xf32>
    %jit3A = arith.constant 0.000000e+00 : f32
    %broadcast_in_dim3A = vector.shape_cast %lt3A_57 : vector<640x1xi1> to vector<640x1xi1>
    %broadcast_in_dim3A_60 = vector.broadcast %broadcast_in_dim3A : vector<640x1xi1> to vector<640x128xi1>
    %broadcast_in_dim3A_61 = vector.broadcast %jit3A : f32 to vector<640x128xf32>
    %select_n3A = arith.select %broadcast_in_dim3A_60, %mul3A_59, %broadcast_in_dim3A_61 : vector<640x128xi1>, vector<640x128xf32>
    %swap3A = arith.constant 0 : index
    %swap3A_62 = arith.constant 0 : index
    %swap3A_63 = vector.load %arg9[%swap3A, %swap3A_62] : memref<640x128xf32, #tpu.memory_space<vmem>>, vector<640x128xf32>
    tpu.vector_store %arg9[%swap3A, %swap3A_62], %select_n3A {strides = array<i32>} : memref<640x128xf32, #tpu.memory_space<vmem>>, vector<640x128xf32>,
    return
  }
  func.func @transform_0(%arg0: i32) -> (i32, i32, i32) {
    %c0_i32 = arith.constant 0 : i32
    %c0_i32_0 = arith.constant 0 : i32
    %c0_i32_1 = arith.constant 0 : i32
    return %c0_i32, %arg0, %c0_i32_0 : i32, i32, i32
  }
  func.func @transform_1(%arg0: i32) -> (i32, i32, i32) {
    %c1_i32 = arith.constant 1 : i32
    %c0_i32 = arith.constant 0 : i32
    %c0_i32_0 = arith.constant 0 : i32
    return %c1_i32, %arg0, %c0_i32 : i32, i32, i32
  }
  func.func @transform_2(%arg0: i32) -> (i32, i32, i32) {
    %c0_i32 = arith.constant 0 : i32
    %c0_i32_0 = arith.constant 0 : i32
    %c0_i32_1 = arith.constant 0 : i32
    return %c0_i32, %arg0, %c0_i32_0 : i32, i32, i32
  }
  func.func @transform_3(%arg0: i32) -> (i32, i32, i32) {
    %c1_i32 = arith.constant 1 : i32
    %c0_i32 = arith.constant 0 : i32
    %c0_i32_0 = arith.constant 0 : i32
    return %c1_i32, %arg0, %c0_i32 : i32, i32, i32
  }
  func.func @transform_4(%arg0: i32) -> (i32, i32, i32) {
    %c0_i32 = arith.constant 0 : i32
    %c0_i32_0 = arith.constant 0 : i32
    %c0_i32_1 = arith.constant 0 : i32
    return %c0_i32, %arg0, %c0_i32_0 : i32, i32, i32
  }
  func.func @transform_5(%arg0: i32) -> (i32, i32, i32) {
    %c1_i32 = arith.constant 1 : i32
    %c0_i32 = arith.constant 0 : i32
    %c0_i32_0 = arith.constant 0 : i32
    return %c1_i32, %arg0, %c0_i32 : i32, i32, i32
  }
  func.func @transform_6(%arg0: i32) -> (i32, i32) {
    %c0_i32 = arith.constant 0 : i32
    %c0_i32_0 = arith.constant 0 : i32
    %c0_i32_1 = arith.constant 0 : i32
    return %c0_i32, %c0_i32_0 : i32, i32
  }
  func.func @transform_7(%arg0: i32) -> (i32, i32) {
    %c0_i32 = arith.constant 0 : i32
    %c0_i32_0 = arith.constant 0 : i32
    %c0_i32_1 = arith.constant 0 : i32
    return %c0_i32, %c0_i32_0 : i32, i32
  }
  func.func @transform_8(%arg0: i32) -> (i32, i32) {
    %c0_i32 = arith.constant 0 : i32
    %c0_i32_0 = arith.constant 0 : i32
    return %arg0, %c0_i32 : i32, i32
  }
}

module attributes {stable_mosaic.version = 14 : i64} {
  func.func @_layer_body(%arg0: i32, %arg1: memref<1x640x128xf32, #tpu.memory_space<vmem>>, %arg2: memref<1x640x128xf32, #tpu.memory_space<vmem>>, %arg3: memref<1x640x16xf32, #tpu.memory_space<vmem>>, %arg4: memref<1x640x16xf32, #tpu.memory_space<vmem>>, %arg5: memref<1x640x16xf32, #tpu.memory_space<vmem>>, %arg6: memref<1x640x16xf32, #tpu.memory_space<vmem>>, %arg7: memref<128x128xf32, #tpu.memory_space<vmem>>, %arg8: memref<1x128xf32, #tpu.memory_space<vmem>>, %arg9: memref<640x128xf32, #tpu.memory_space<vmem>>) attributes {dimension_semantics = [#tpu.dimension_semantics<arbitrary>], iteration_bounds = array<i64: 16>, scalar_prefetch = 0 : i64, scratch_operands = 0 : i64, tpu.core_type = #tpu.core_type<tc>, window_params = [{transform_indices = @transform_0, window_bounds = array<i64: 1, 640, 128>}, {transform_indices = @transform_1, window_bounds = array<i64: 1, 640, 128>}, {transform_indices = @transform_2, window_bounds = array<i64: 1, 640, 16>}, {transform_indices = @transform_3, window_bounds = array<i64: 1, 640, 16>}, {transform_indices = @transform_4, window_bounds = array<i64: 1, 640, 16>}, {transform_indices = @transform_5, window_bounds = array<i64: 1, 640, 16>}, {pipeline_mode = #tpu.pipeline_mode<synchronous>, transform_indices = @transform_6, window_bounds = array<i64: 128, 128>}, {pipeline_mode = #tpu.pipeline_mode<synchronous>, transform_indices = @transform_7, window_bounds = array<i64: 1, 128>}, {transform_indices = @transform_8, window_bounds = array<i64: 640, 128>}]} {
    %get3A = arith.constant 0 : index
    %get3A_0 = arith.constant 0 : index
    %get3A_1 = arith.constant 0 : index
    %get3A_2 = vector.load %arg3[%get3A, %get3A_0, %get3A_1] : memref<1x640x16xf32, #tpu.memory_space<vmem>>, vector<1x640x16xf32>
    %get3A_3 = arith.constant 0 : index
    %get3A_4 = arith.constant 0 : index
    %get3A_5 = arith.constant 0 : index
    %get3A_6 = vector.load %arg4[%get3A_3, %get3A_4, %get3A_5] : memref<1x640x16xf32, #tpu.memory_space<vmem>>, vector<1x640x16xf32>
    %slice3A = vector.extract_strided_slice %get3A_2 {offsets = [0, 0, 0], sizes = [1, 640, 1], strides = [1, 1, 1]} : vector<1x640x16xf32> to vector<1x640x1xf32>
    %squeeze3A = vector.shape_cast %slice3A : vector<1x640x1xf32> to vector<640x1xf32>
    %slice3A_7 = vector.extract_strided_slice %get3A_6 {offsets = [0, 0, 0], sizes = [1, 640, 1], strides = [1, 1, 1]} : vector<1x640x16xf32> to vector<1x640x1xf32>
    %squeeze3A_8 = vector.shape_cast %slice3A_7 : vector<1x640x1xf32> to vector<640x1xf32>
    %add3A = arith.addf %squeeze3A, %squeeze3A_8 : vector<640x1xf32>
    %max3A = arith.constant 1.000000e+00 : f32
    %max3A_9 = vector.broadcast %max3A : f32 to vector<640x1xf32>
    %max3A_10 = arith.maximumf %add3A, %max3A_9 : vector<640x1xf32>
    %rsqrt3A = math.rsqrt %max3A_10 : vector<640x1xf32>
    %get3A_11 = arith.constant 0 : index
    %get3A_12 = arith.constant 0 : index
    %get3A_13 = arith.constant 0 : index
    %get3A_14 = vector.load %arg1[%get3A_11, %get3A_12, %get3A_13] : memref<1x640x128xf32, #tpu.memory_space<vmem>>, vector<1x640x128xf32>
    %get3A_15 = vector.shape_cast %get3A_14 : vector<1x640x128xf32> to vector<640x128xf32>
    %get3A_16 = arith.constant 0 : index
    %get3A_17 = arith.constant 0 : index
    %get3A_18 = arith.constant 0 : index
    %get3A_19 = vector.load %arg2[%get3A_16, %get3A_17, %get3A_18] : memref<1x640x128xf32, #tpu.memory_space<vmem>>, vector<1x640x128xf32>
    %get3A_20 = vector.shape_cast %get3A_19 : vector<1x640x128xf32> to vector<640x128xf32>
    %add3A_21 = arith.addf %get3A_15, %get3A_20 : vector<640x128xf32>
    %mul3A = vector.broadcast %rsqrt3A : vector<640x1xf32> to vector<640x128xf32>
    %mul3A_22 = arith.mulf %add3A_21, %mul3A : vector<640x128xf32>
    %get3A_23 = arith.constant 0 : index
    %get3A_24 = arith.constant 0 : index
    %get3A_25 = vector.load %arg7[%get3A_23, %get3A_24] : memref<128x128xf32, #tpu.memory_space<vmem>>, vector<128x128xf32>
    %dot_general3A = arith.constant dense<0.000000e+00> : vector<640x128xf32>
    %dot_general3A_26 = tpu.matmul %mul3A_22, %get3A_25, %dot_general3A {dimension_numbers = #tpu.dot_dimension_numbers<[1], [0], [0], [1], [0, 0, 1, 1], [], []>, transpose_lhs_hint = false} : vector<640x128xf32>, vector<128x128xf32>, vector<640x128xf32> -> vector<640x128xf32>
    %get3A_27 = arith.constant 0 : index
    %get3A_28 = arith.constant 0 : index
    %get3A_29 = vector.load %arg8[%get3A_27, %get3A_28] : memref<1x128xf32, #tpu.memory_space<vmem>>, vector<1x128xf32>
    %add3A_30 = vector.broadcast %get3A_29 : vector<1x128xf32> to vector<640x128xf32>
    %add3A_31 = arith.addf %dot_general3A_26, %add3A_30 : vector<640x128xf32>
    %swap3A = arith.constant 0 : index
    %swap3A_32 = arith.constant 0 : index
    %swap3A_33 = vector.load %arg9[%swap3A, %swap3A_32] : memref<640x128xf32, #tpu.memory_space<vmem>>, vector<640x128xf32>
    tpu.vector_store %arg9[%swap3A, %swap3A_32], %add3A_31 {strides = array<i32>} : memref<640x128xf32, #tpu.memory_space<vmem>>, vector<640x128xf32>,
    return
  }
  func.func @transform_0(%arg0: i32) -> (i32, i32, i32) {
    %c0_i32 = arith.constant 0 : i32
    %c0_i32_0 = arith.constant 0 : i32
    %c0_i32_1 = arith.constant 0 : i32
    return %c0_i32, %arg0, %c0_i32_0 : i32, i32, i32
  }
  func.func @transform_1(%arg0: i32) -> (i32, i32, i32) {
    %c1_i32 = arith.constant 1 : i32
    %c0_i32 = arith.constant 0 : i32
    %c0_i32_0 = arith.constant 0 : i32
    return %c1_i32, %arg0, %c0_i32 : i32, i32, i32
  }
  func.func @transform_2(%arg0: i32) -> (i32, i32, i32) {
    %c0_i32 = arith.constant 0 : i32
    %c0_i32_0 = arith.constant 0 : i32
    %c0_i32_1 = arith.constant 0 : i32
    return %c0_i32, %arg0, %c0_i32_0 : i32, i32, i32
  }
  func.func @transform_3(%arg0: i32) -> (i32, i32, i32) {
    %c1_i32 = arith.constant 1 : i32
    %c0_i32 = arith.constant 0 : i32
    %c0_i32_0 = arith.constant 0 : i32
    return %c1_i32, %arg0, %c0_i32 : i32, i32, i32
  }
  func.func @transform_4(%arg0: i32) -> (i32, i32, i32) {
    %c0_i32 = arith.constant 0 : i32
    %c0_i32_0 = arith.constant 0 : i32
    %c0_i32_1 = arith.constant 0 : i32
    return %c0_i32, %arg0, %c0_i32_0 : i32, i32, i32
  }
  func.func @transform_5(%arg0: i32) -> (i32, i32, i32) {
    %c1_i32 = arith.constant 1 : i32
    %c0_i32 = arith.constant 0 : i32
    %c0_i32_0 = arith.constant 0 : i32
    return %c1_i32, %arg0, %c0_i32 : i32, i32, i32
  }
  func.func @transform_6(%arg0: i32) -> (i32, i32) {
    %c0_i32 = arith.constant 0 : i32
    %c0_i32_0 = arith.constant 0 : i32
    %c0_i32_1 = arith.constant 0 : i32
    return %c0_i32, %c0_i32_0 : i32, i32
  }
  func.func @transform_7(%arg0: i32) -> (i32, i32) {
    %c0_i32 = arith.constant 0 : i32
    %c0_i32_0 = arith.constant 0 : i32
    %c0_i32_1 = arith.constant 0 : i32
    return %c0_i32, %c0_i32_0 : i32, i32
  }
  func.func @transform_8(%arg0: i32) -> (i32, i32) {
    %c0_i32 = arith.constant 0 : i32
    %c0_i32_0 = arith.constant 0 : i32
    return %arg0, %c0_i32 : i32, i32
  }
}

</mosaic_0001>

<sc_bundles>
// kernel: kernel.11.cloned.1.call-start
scs
__scs_entry_jumppad:
0x0: {  	(pc) =	sbr.rel $0x88, $3  }
0x1: {  	(tag) =	ssettag $0x0;
	lr =	simm.s32 $0x1  }
0x2: {  	[smem:$0x3F9B] =	sst lr;
	_ =	strace $0xD0000000  }
0x3: {  	_ = 	snop  }
0x4: {  	_ = 	snop  }
0x5: {  	_ = 	snop  }
0x6: {  	_ = 	snop  }
0x7: {  	_ = 	snop  }
__scs_overlays_trampoline_lowered:
0x8: {  	[smem:$0x3FAA] =	sst s0  }
0x9: {  	[smem:$0x3FAB] =	sst s1  }
0xa: {  	[smem:$0x3FAC] =	sst s2  }
0xb: {  	[smem:$0x3FAD] =	sst s3  }
0xc: {  	[smem:$0x3FAE] =	sst s4  }
0xd: {  	[smem:$0x3FAF] =	sst s5  }
0xe: {  	[smem:$0x3FB0] =	sst s6  }
0xf: {  	[smem:$0x3FB1] =	sst s7  }
0x10: {  	[smem:$0x3FB2] =	sst s8  }
0x11: {  	[smem:$0x3FB3] =	sst s9;
	s0 =	simm.s32 @!p0 $0x0  }
0x12: {  	s1 =	sld [smem:$0x3F99];
	s0 =	simm.s32 @p0 $0x1  }
0x13: {  	[smem:$0x3FB4] =	sst s0;
	s0 =	simm.s32 @!p1 $0x0  }
0x14: {  	s2 =	sld [smem:$0x3F98];
	s0 =	simm.s32 @p1 $0x1  }
0x15: {  	[smem:$0x3FB5] =	sst s0;
	s0 =	simm.s32 @!p2 $0x0  }
0x16: {  	s3 =	sld [smem:$0x3FDB];
	s0 =	simm.s32 @p2 $0x1  }
0x17: {  	s4 =	simm.s32 $0x1BF5;
	[smem:$0x3FB7] =	sst s0  }
0x18: {  	s0 =	sld [smem:$0x3F9A];
	_ =	swait.ge [sflag:s4], $0x0  }
0x19: {  	s7 =	sld [smem:$0x3F9B]  }
0x1a: {  	s8 =	sadd.s32 $0xFFFFE003, lr  }
0x1b: {  	s9 =	sadd.s32 $0xFFFFFEF7, lr;
	s5 =	simm.s32 $0xFFFFFFFF;
	p2 =	slt.u32 s8, $0xFFFFF086  }
0x1c: {  	p1 =	slt.u32 s9, $0xF7A;
	s5 =	simm.s32 @!p2 $0x0  }
0x1d: {  	s5 =	simm.s32 @p1 $0x1;
	p0 =	seq.s32 s7, s2  }
0x1e: {  	s7 =	smul.u32 @!p0 $0xF7A, s2;
	p2 =	seq.s32 @!p0 s5, $0x0  }
0x1f: {  	s9 =	smul.u32 $0xF7A, s1;
	s8 =	simm.s32 @!p0 $0x1BF5;
	p2 =	por !p2, p0  }
0x20: {  	[sflag:s8] =	ssyncset.s32 @!p0 $0xFFFFF086;
	s6 =	sadd.s32 @!p0 s3, s7;
	s7 =	simm.s32 @!p0 $0x108  }
0x21: {  	s3 =	sadd.s32 s3, s9;
	s6 =	sadd.s32 @!p0 $0x88, s6;
	s7 =	simm.s32 @p2 $0x1082  }
0x22: {  	[simem:s7], [sflag:s8] =	dma.local @!p0 [hbm:s6], $0xF7A  }
0x23: {  	s9 =	sor.u32 $0xD0000000, s2;
	s6 =	simm.s32 $0x108;
	_ =	swait.ge @!p0 [sflag:s8], $0x0  }
0x24: {  	s3 =	sadd.s32 $0x88, s3;
	s6 =	simm.s32 @!p1 $0x1082;
	[sflag:s4] =	ssyncset.s32 $0xFFFFF086  }
0x25: {  	[simem:s6], [sflag:s4] =	dma.local [hbm:s3], $0xF7A  }
0x26: {  	[smem:$0x3F9B] =	sst s1;
	(tag) =	ssettag s2;
	_ =	strace s9  }
0x27: {  	s1 =	sld [smem:$0x3FAB]  }
0x28: {  	s2 =	sld [smem:$0x3FAC]  }
0x29: {  	s4 =	sld [smem:$0x3FAE]  }
0x2a: {  	p0 =	seq.s32 s5, $0x0;
	s5 =	sld [smem:$0x3FAF]  }
0x2b: {  	s6 =	sld [smem:$0x3FB0]  }
0x2c: {  	s7 =	sld [smem:$0x3FB1]  }
0x2d: {  	s3 =	simm.s32 $0x108;
	s8 =	sld [smem:$0x3FB2]  }
0x2e: {  	s3 =	simm.s32 @!p0 $0x1082;
	s9 =	sld [smem:$0x3FB3]  }
0x2f: {  	lr =	sadd.s32 s0, s3;
	s0 =	sld [smem:$0x3FAA]  }
0x30: {  	s3 =	sld [smem:$0x3FAD]  }
0x31: {  	[smem:$0x3FB6] =	sst s10  }
0x32: {  	s10 =	sld [smem:$0x3FB4];
	_ =	sdelay $0x3  }
0x33: {  	p0 =	seq.s32 s10, $0x1;
	s10 =	sld [smem:$0x3FB6];
	_ =	sdelay $0x3  }
0x34: {  	[smem:$0x3FB6] =	sst s10  }
0x35: {  	s10 =	sld [smem:$0x3FB5];
	_ =	sdelay $0x3  }
0x36: {  	p1 =	seq.s32 s10, $0x1;
	s10 =	sld [smem:$0x3FB6];
	_ =	sdelay $0x3  }
0x37: {  	[smem:$0x3FB6] =	sst s10  }
0x38: {  	s10 =	sld [smem:$0x3FB7]  }
0x39: {  	_ = 	snop;
	(pc) =	sbr.ind lr, $3  }
0x3a: {  	_ = 	snop  }
0x3b: {  	_ = 	snop  }
0x3c: {  	p2 =	seq.s32 s10, $0x1;
	s10 =	sld [smem:$0x3FB6]  }
0x3d: {  	_ =	shalt  }
0x3e: {  	_ =	shalt  }
0x3f: {  	_ =	shalt  }
0x40: {  	_ =	shalt  }
0x41: {  	_ =	shalt  }
0x42: {  	_ =	shalt  }
0x43: {  	_ =	shalt  }
0x44: {  	_ =	shalt  }
0x45: {  	_ =	shalt  }
0x46: {  	_ =	shalt  }
0x47: {  	_ =	shalt  }
0x48: {  	_ =	shalt  }
0x49: {  	_ =	shalt  }
0x4a: {  	_ =	shalt  }
0x4b: {  	_ =	shalt  }
0x4c: {  	_ =	shalt  }
0x4d: {  	_ =	shalt  }
0x4e: {  	_ =	shalt  }
0x4f: {  	_ =	shalt  }
0x50: {  	_ =	shalt  }
0x51: {  	_ =	shalt  }
0x52: {  	_ =	shalt  }
0x53: {  	_ =	shalt  }
0x54: {  	_ =	shalt  }
0x55: {  	_ =	shalt  }
0x56: {  	_ =	shalt  }
0x57: {  	_ =	shalt  }
0x58: {  	_ =	shalt  }
0x59: {  	_ =	shalt  }
0x5a: {  	_ =	shalt  }
0x5b: {  	_ =	shalt  }
0x5c: {  	_ =	shalt  }
0x5d: {  	_ =	shalt  }
0x5e: {  	_ =	shalt  }
0x5f: {  	_ =	shalt  }
0x60: {  	_ =	shalt  }
0x61: {  	_ =	shalt  }
0x62: {  	_ =	shalt  }
0x63: {  	_ =	shalt  }
0x64: {  	_ =	shalt  }
0x65: {  	_ =	shalt  }
0x66: {  	_ =	shalt  }
0x67: {  	_ =	shalt  }
0x68: {  	_ =	shalt  }
0x69: {  	_ =	shalt  }
0x6a: {  	_ =	shalt  }
0x6b: {  	_ =	shalt  }
0x6c: {  	_ =	shalt  }
0x6d: {  	_ =	shalt  }
0x6e: {  	_ =	shalt  }
0x6f: {  	_ =	shalt  }
0x70: {  	_ =	shalt  }
0x71: {  	_ =	shalt  }
0x72: {  	_ =	shalt  }
0x73: {  	_ =	shalt  }
0x74: {  	_ =	shalt  }
0x75: {  	_ =	shalt  }
0x76: {  	_ =	shalt  }
0x77: {  	_ =	shalt  }
0x78: {  	_ =	shalt  }
0x79: {  	_ =	shalt  }
0x7a: {  	_ =	shalt  }
0x7b: {  	_ =	shalt  }
0x7c: {  	_ =	shalt  }
0x7d: {  	_ =	shalt  }
0x7e: {  	_ =	shalt  }
0x7f: {  	_ =	shalt  }
0x80: {  	_ =	shalt  }
0x81: {  	_ =	shalt  }
0x82: {  	_ =	shalt  }
0x83: {  	_ =	shalt  }
0x84: {  	_ =	shalt  }
0x85: {  	_ =	shalt  }
0x86: {  	_ =	shalt  }
0x87: {  	_ =	shalt  }
.Lfunc_end0:
.L_simem_size_0:
called_computation.1_lowered:
.L_overlay_start_0:
0x88: {  	s2 =	sld [smem:$0x3FD9]  }
0x89: {  	s3 =	sld [smem:$0x3FFE];
	_ =	sdelay $0x1  }
0x8a: {  	s1 =	srdreg.scid  }
0x8b: {  	s0 =	sand.u32 $0x1, s1  }
0x8c: {  	s17 =	sshll.u32 s0, $0xA;
	s2 =	sadd.s32 s3, s2  }
0x8d: {  	s2 =	sadd.s32 s2, s17  }
0x8e: {  	[smem:$0x3FC2] =	sst s2  }
0x8f: {  	_ = 	snop  }
0x90: {  	s2 =	sld [smem:$0x3FD0];
	(tm) =	ssettm $0x1  }
0x91: {  	s18 =	sld [smem:$0x3FFB];
	_ =	sdelay $0x3  }
0x92: {  	_ =	strace s18  }
0x93: {  	s3 =	sld [smem:$0x3FFC];
	_ =	sdelay $0x3  }
0x94: {  	_ =	strace s3  }
0x95: {  	s3 =	sld [smem:$0x3FFD];
	_ =	sdelay $0x3  }
0x96: {  	_ =	strace s3  }
0x97: {  	_ =	strace $0x8FFFFFFF  }
0x98: {  	s19 =	sld [smem:$0x3FDB];
	_ =	sdelay $0x1  }
0x99: {  	s4 =	simm.s32 $_scs_section_size  }
0x9a: {  	s5 =	simm.s32 $_size__tile_overlayer_lowered;
	s6 =	simm.s32 $_tile_overlayer_lowered  }
0x9b: {  	s22 =	simm.s32 $0x1BFF;
	s21 =	sshll.u32 s6, $0x1;
	s3 =	sadd.s32 s4, s19  }
0x9c: {  	s7 =	simm.s32 $0x0;
	s20 =	sshll.u32 s5, $0x1;
	s5 =	sadd.s32 s21, s3  }
0x9d: {  	[timem:s7], [sflag:s22] =	dma.local [hbm:s5], s20  }
0x9e: {  	_ =	swait.ge [sflag:s22], s20  }
0x9f: {  	s4 =	ssub.s32 $0x0, s20;
	[sflag:s22] =	ssyncset.done $0x0  }
0xa0: {  	[sflag:s22] =	ssyncadd.s32 s4;
	_ =	sdelay $0x1  }
0xa1: {  	s23 =	simm.s32 $0x1B8B  }
0xa2: {  	_ =	swait.ge [sflag:s23], $0x1  }
0xa3: {  	[sflag:s23] =	ssyncset.done $0x0  }
0xa4: {  	s25 =	simm.s32 $0x1B8E;
	s24 =	sld [smem:$0x3FFE];
	[sflag:s23] =	ssyncadd.s32 $0xFFFFFFFF  }
0xa5: {  	s26 =	simm.s32 $execute0_lowered;
	[smem:$0x3FD2] =	sst s25  }
0xa6: {  	s5 =	sshll.u32 s26, $0x1;
	_ =	strace $0x80000049;
	[dreg:$0x1] =	wrdreg $0xFFFFFFFF  }
0xa7: {  	s28 =	simm.s32 $_size_execute0_lowered;
	s3 =	sadd.s32 s3, s5;
	[dreg:$0x0] =	wrdreg $0x0  }
0xa8: {  	s5 =	sshll.u32 s28, $0x1;
	[dreg:$0x2] =	wrdreg s3  }
0xa9: {  	[dreg:$0x3] =	wrdreg s5  }
0xaa: {  	[dreg:$0x4] =	wrdreg $0xC0  }
0xab: {  	_ =	task [dreg:s7], $0x5FFFF  }
0xac: {  	[dreg:$0x1] =	wrdreg $0xFFFFFFFF  }
0xad: {  	[dreg:$0x0] =	wrdreg $0x60  }
0xae: {  	[dreg:$0x2] =	wrdreg s24  }
0xaf: {  	[dreg:$0x3] =	wrdreg s2  }
0xb0: {  	[dreg:$0x4] =	wrdreg $0x41000  }
0xb1: {  	[dreg:$0x5] =	wrdreg $0x9  }
0xb2: {  	_ =	task.clear_ibuf [dreg:s7], $0x6FFFF;
	_ =	strace $0x90000049  }
0xb3: {  	s29 =	simm.s32 $0x9;
	_ =	strace $0x8000004B  }
0xb4: {  	_ =	swait.ge [sflag:s29], $0x1  }
0xb5: {  	[sflag:s29] =	ssyncadd.s32 $0xFFFFFFFF  }
0xb6: {  	_ =	strace $0x9000004B  }
0xb7: {  	_ =	sfence  }
0xb8: {  	s30 =	sld [smem:$0x0];
	_ =	sdelay $0x2  }
0xb9: {  	s31 =	sshll.u32 s1, $0xD;
	s1 =	sshrl.u32 s1, $0x2  }
0xba: {  	s3 =	sand.u32 $0x4000, s31;
	s1 =	sadd.s32 s1, s30  }
0xbb: {  	s0 =	sor.u32 s3, s0;
	s1 =	sshll.u32 s1, $0x11  }
0xbc: {  	s0 =	sor.u32 s1, s0  }
0xbd: {  	s0 =	sadd.s32 $0x8F2B, s0  }
0xbe: {  	[sflag:s0] =	ssyncadd.remote.s32 $0x1  }
0xbf: {  	_ =	sfence.sel $0xFFFF  }
0xc0: {  	[dreg:$0x0] =	wrdreg $0xFFFFFFFF;
	(pc) =	sbr.abs _section_cstart, $3  }
0xc1: {  	[dreg:$0x1] =	wrdreg $0xFFFFFFFF  }
0xc2: {  	_ =	task.clear_ibuf [dreg:s7], $0x2FFFF;
	_ =	strace $0x9FFFFFFF  }
0xc3: {  	(tm) =	ssettm $0x7FFFFFFF  }
tec
execute0_lowered:
.L_overlay_start_1:
0x0: {  	(tag) =	ssettag $0x1  }
0x1: {  	s6 =	rddreg [dreg:$0x0]  }
0x2: {  	s1 =	rddreg [dreg:$0x1]  }
0x3: {  	s0 =	srdreg.scid;
	s2 =	rddreg [dreg:$0x2]  }
0x4: {  	s4 =	simm.s32 $0x0;
	s3 =	stileid.u32;
	s21 =	simm.s32 $0x80  }
0x5: {  	s22 =	simm.s32 $0x1;
	s23 =	simm.s32 $0x0;
	s8 =	smul.u32 $0x50000, s3  }
0x6: {  	s7 =	sand.u32 $0x1, s0;
	s0 =	rddreg [dreg:$0x3];
	s10 =	smul.u32 $0x14000, s3  }
0x7: {  	[smem:$0x7FF] =	sst s4;
	s16 =	sadd.s32 $0x98A00, s6;
	s30 =	smul.u32 $0x4F0, s3  }
0x8: {  	s5 =	smul.u32 $0x4F00, s7;
	_ =	strace $0x8000004A;
	s9 =	ssub.s32 $0x2, s7  }
0x9: {  	s18 =	smul.u32 $0x140000, s7;
	s29 =	sshrl.u32 s9, $0x1;
	s8 =	sshrl.u32 s8, $0x2  }
0xa: {  	s11 =	sadd.s32 $0x4000, s10;
	s13 =	sadd.s32 $0x8000, s10;
	s14 =	sadd.s32 $0xC000, s10  }
0xb: {  	s19 =	sadd.s32 $0x10000, s10;
	s15 =	sadd.s32 s5, s6;
	s5 =	sadd.s32 $0x70A00, s6  }
0xc: {  	s17 =	ssub.s32 s9, s29;
	s6 =	sadd.s32 s8, s2;
	s7 =	sadd.s32 s11, s2  }
0xd: {  	s8 =	sadd.s32 s13, s2;
	s9 =	sadd.s32 s14, s2;
	s12 =	sadd.s32 s10, s18  }
0xe: {  	s11 =	sadd.s32 s18, s11;
	s10 =	sadd.s32 s19, s2;
	s13 =	sadd.s32 s18, s13  }
0xf: {  	s14 =	sadd.s32 s18, s14;
	s18 =	sadd.s32 s18, s19;
	s19 =	simm.s32 $0x100  }
0x10: {  	s12 =	sshrl.u32 s12, $0x3;
	s20 =	sshrl.u32 s11, $0x3;
	s13 =	sshrl.u32 s13, $0x3  }
0x11: {  	s14 =	sshrl.u32 s14, $0x3;
	s18 =	sshrl.u32 s18, $0x3;
	s31 =	sadd.s32 s30, s15  }
0x12: {  	s11 =	sadd.s32 s16, s12;
	s12 =	sadd.s32 s16, s20;
	s13 =	sadd.s32 s16, s13  }
0x13: {  	s14 =	sadd.s32 s16, s14;
	s15 =	sadd.s32 s16, s18;
	s16 =	smax.u32 s17, $0x1  }
0x14: {  	s17 =	sadd.s32 $0x2600, s31;
	s18 =	sadd.s32 $0xC400, s31;
	s20 =	simm.s32 $0x2  }
.LBB2_1:
0x15: {  	[tilespmem:s19], [sflag:$0x2] =	stream.linear.gather [hbm4b:s1+s4], $0x4000, $0x38;
	[tilespmem:$0x18100] =	vst v63  }
0x16: {  	_ =	swait.ge [sflag:s20], $0x4000  }
0x17: {  	[sflag:s20] =	ssyncset.done $0x0  }
0x18: {  	[sflag:s20] =	ssyncadd.s32 $0xFFFFC000  }
0x19: {  	[spmem:s6] =	stream.linear.scatter [tilespmem:s19], [sflag:$0x2], $0x4000, $0x38;
	[tilespmem:$0x18100] =	vst v63  }
0x1a: {  	_ =	swait.ge [sflag:s20], $0x4000  }
0x1b: {  	[sflag:s20] =	ssyncset.done $0x0  }
0x1c: {  	[sflag:s20] =	ssyncadd.s32 $0xFFFFC000  }
0x1d: {  	[spmem:s7] =	stream.linear.scatter [tilespmem:s19], [sflag:$0x2], $0x4000, $0x38;
	[tilespmem:$0x18100] =	vst v63  }
0x1e: {  	_ =	swait.ge [sflag:s20], $0x4000  }
0x1f: {  	[sflag:s20] =	ssyncset.done $0x0  }
0x20: {  	[sflag:s20] =	ssyncadd.s32 $0xFFFFC000  }
0x21: {  	[spmem:s8] =	stream.linear.scatter [tilespmem:s19], [sflag:$0x2], $0x4000, $0x38;
	[tilespmem:$0x18100] =	vst v63  }
0x22: {  	_ =	swait.ge [sflag:s20], $0x4000  }
0x23: {  	[sflag:s20] =	ssyncset.done $0x0  }
0x24: {  	[sflag:s20] =	ssyncadd.s32 $0xFFFFC000  }
0x25: {  	[spmem:s9] =	stream.linear.scatter [tilespmem:s19], [sflag:$0x2], $0x4000, $0x38;
	[tilespmem:$0x18100] =	vst v63  }
0x26: {  	_ =	swait.ge [sflag:s20], $0x4000  }
0x27: {  	[sflag:s20] =	ssyncset.done $0x0  }
0x28: {  	[sflag:s20] =	ssyncadd.s32 $0xFFFFC000  }
0x29: {  	[spmem:s10] =	stream.linear.scatter [tilespmem:s19], [sflag:$0x2], $0x4000, $0x38;
	[tilespmem:$0x18100] =	vst v63  }
0x2a: {  	_ =	swait.ge [sflag:s20], $0x4000  }
0x2b: {  	[sflag:s20] =	ssyncset.done $0x0  }
0x2c: {  	[sflag:s20] =	ssyncadd.s32 $0xFFFFC000  }
0x2d: {  	s24 =	sadd.s32 $0x0, s18;
	[bflag:$0x0] =	sbarrier.arrive $0xFFFF  }
0x2e: {  	[tilespmem:s4], [sflag:$0x2] =	stream.linear.gather [hbm4b:s24+s4], $0x80, $0x38;
	[tilespmem:$0x18100] =	vst v63  }
0x2f: {  	_ =	swait.ge [sflag:s20], $0x80  }
0x30: {  	[sflag:s20] =	ssyncset.done $0x0  }
0x31: {  	s31 =	sadd.s32 $0x0, s17;
	[sflag:s20] =	ssyncadd.s32 $0xFFFFFF80  }
0x32: {  	[tilespmem:s21], [sflag:$0x2] =	stream.linear.gather [hbm4b:s31+s4], $0x80, $0x38;
	[tilespmem:$0x18100] =	vst v63  }
0x33: {  	_ =	swait.ge [sflag:s20], $0x80  }
0x34: {  	[sflag:s20] =	ssyncset.done $0x0  }
0x35: {  	[sflag:s20] =	ssyncadd.s32 $0xFFFFFF80  }
0x36: {  	[tilespmem:s19], [sflag:$0x1] =	stream.indirect.gather [hbm4b:s5+s21], $0x80, s4, s21, $0xb8;
	[tilespmem:$0x18100] =	vst v63  }
0x37: {  	_ =	swait.ge [sflag:s22], $0x4000  }
0x38: {  	[sflag:s22] =	ssyncset.done $0x0  }
0x39: {  	[sflag:s22] =	ssyncadd.s32 $0xFFFFC000  }
0x3a: {  	[spmem:s2] =	stream.indirect.scatter.add.f32 [tilespmem:s19], [sflag:$0x2], $0x80, s21, s21, $0xb8;
	[tilespmem:$0x18100] =	vst v63  }
0x3b: {  	_ =	swait.ge [sflag:s20], $0x4000  }
0x3c: {  	s25 =	simm.s32 $0x20;
	s24 =	simm.s32 $0x10;
	[sflag:s20] =	ssyncset.done $0x0  }
.LBB2_2:
0x3d: {  	s26 =	sadd.s32 s24, s18  }
0x3e: {  	[sflag:s20] =	ssyncadd.s32 $0xFFFFC000;
	s28 =	smov.u32 s25;
	s29 =	sadd.s32 $0x10, s25  }
0x3f: {  	[tilespmem:s4], [sflag:$0x2] =	stream.linear.gather [hbm4b:s26+s4], $0x80, $0x38;
	[tilespmem:$0x18100] =	vst v63  }
0x40: {  	p0 =	sne.s32 s25, $0x4E0;
	_ =	swait.ge [sflag:s20], $0x80  }
0x41: {  	[sflag:s20] =	ssyncset.done $0x0  }
0x42: {  	s25 =	sadd.s32 s24, s17;
	s24 =	smov.u32 s28;
	[sflag:s20] =	ssyncadd.s32 $0xFFFFFF80  }
0x43: {  	[tilespmem:s21], [sflag:$0x2] =	stream.linear.gather [hbm4b:s25+s4], $0x80, $0x38;
	[tilespmem:$0x18100] =	vst v63  }
0x44: {  	_ =	swait.ge [sflag:s20], $0x80  }
0x45: {  	[sflag:s20] =	ssyncset.done $0x0  }
0x46: {  	[sflag:s20] =	ssyncadd.s32 $0xFFFFFF80  }
0x47: {  	[tilespmem:s19], [sflag:$0x1] =	stream.indirect.gather [hbm4b:s5+s21], $0x80, s4, s21, $0xb8;
	[tilespmem:$0x18100] =	vst v63  }
0x48: {  	_ =	swait.ge [sflag:s22], $0x4000  }
.Ltmp0:
0x49: {  	[sflag:s22] =	ssyncset.done $0x0;
	(pc) =	sbr.rel @p0 .LBB2_2-.Ltmp0, $4  }
0x4a: {  	[sflag:s22] =	ssyncadd.s32 $0xFFFFC000  }
0x4b: {  	[spmem:s2] =	stream.indirect.scatter.add.f32 [tilespmem:s19], [sflag:$0x2], $0x80, s21, s21, $0xb8;
	[tilespmem:$0x18100] =	vst v63  }
0x4c: {  	_ =	swait.ge [sflag:s20], $0x4000  }
0x4d: {  	s25 =	smov.u32 s29;
	[sflag:s20] =	ssyncset.done $0x0  }
0x4e: {  	s25 =	sadd.s32 s24, s18;
	[sflag:s20] =	ssyncadd.s32 $0xFFFFC000  }
0x4f: {  	[tilespmem:s4], [sflag:$0x2] =	stream.linear.gather [hbm4b:s25+s4], $0x80, $0x38;
	[tilespmem:$0x18100] =	vst v63  }
0x50: {  	_ =	swait.ge [sflag:s20], $0x80  }
0x51: {  	[sflag:s20] =	ssyncset.done $0x0  }
0x52: {  	s31 =	sadd.s32 s24, s17;
	[sflag:s20] =	ssyncadd.s32 $0xFFFFFF80  }
0x53: {  	[tilespmem:s21], [sflag:$0x2] =	stream.linear.gather [hbm4b:s31+s4], $0x80, $0x38;
	[tilespmem:$0x18100] =	vst v63  }
0x54: {  	_ =	swait.ge [sflag:s20], $0x80  }
0x55: {  	[sflag:s20] =	ssyncset.done $0x0  }
0x56: {  	[sflag:s20] =	ssyncadd.s32 $0xFFFFFF80  }
0x57: {  	[tilespmem:s19], [sflag:$0x1] =	stream.indirect.gather [hbm4b:s5+s21], $0x80, s4, s21, $0xb8;
	[tilespmem:$0x18100] =	vst v63  }
0x58: {  	_ =	swait.ge [sflag:s22], $0x4000  }
0x59: {  	[sflag:s22] =	ssyncset.done $0x0  }
0x5a: {  	[sflag:s22] =	ssyncadd.s32 $0xFFFFC000  }
0x5b: {  	[spmem:s2] =	stream.indirect.scatter.add.f32 [tilespmem:s19], [sflag:$0x2], $0x80, s21, s21, $0xb8;
	[tilespmem:$0x18100] =	vst v63  }
0x5c: {  	_ =	swait.ge [sflag:s20], $0x4000  }
0x5d: {  	[sflag:s20] =	ssyncset.done $0x0  }
0x5e: {  	[sflag:s20] =	ssyncadd.s32 $0xFFFFC000  }
0x5f: {  	[bflag:$0x0] =	sbarrier.arrive $0xFFFF  }
0x60: {  	[tilespmem:s19], [sflag:$0x2] =	stream.linear.gather [spmem:s6], $0x4000, $0x38;
	[tilespmem:$0x18100] =	vst v63  }
0x61: {  	_ =	swait.ge [sflag:s20], $0x4000  }
0x62: {  	[sflag:s20] =	ssyncset.done $0x0  }
0x63: {  	[sflag:s20] =	ssyncadd.s32 $0xFFFFC000  }
0x64: {  	[hbm4b:s11+s4] =	stream.linear.scatter [tilespmem:s19], [sflag:$0x2], $0x4000, $0x38;
	[tilespmem:$0x18100] =	vst v63  }
0x65: {  	_ =	swait.ge [sflag:s20], $0x4000  }
0x66: {  	[sflag:s20] =	ssyncset.done $0x0  }
0x67: {  	[sflag:s20] =	ssyncadd.s32 $0xFFFFC000  }
0x68: {  	[tilespmem:s19], [sflag:$0x2] =	stream.linear.gather [spmem:s7], $0x4000, $0x38;
	[tilespmem:$0x18100] =	vst v63  }
0x69: {  	_ =	swait.ge [sflag:s20], $0x4000  }
0x6a: {  	[sflag:s20] =	ssyncset.done $0x0  }
0x6b: {  	[sflag:s20] =	ssyncadd.s32 $0xFFFFC000  }
0x6c: {  	[hbm4b:s12+s4] =	stream.linear.scatter [tilespmem:s19], [sflag:$0x2], $0x4000, $0x38;
	[tilespmem:$0x18100] =	vst v63  }
0x6d: {  	_ =	swait.ge [sflag:s20], $0x4000  }
0x6e: {  	[sflag:s20] =	ssyncset.done $0x0  }
0x6f: {  	[sflag:s20] =	ssyncadd.s32 $0xFFFFC000  }
0x70: {  	[tilespmem:s19], [sflag:$0x2] =	stream.linear.gather [spmem:s8], $0x4000, $0x38;
	[tilespmem:$0x18100] =	vst v63  }
0x71: {  	_ =	swait.ge [sflag:s20], $0x4000  }
0x72: {  	[sflag:s20] =	ssyncset.done $0x0  }
0x73: {  	[sflag:s20] =	ssyncadd.s32 $0xFFFFC000  }
0x74: {  	[hbm4b:s13+s4] =	stream.linear.scatter [tilespmem:s19], [sflag:$0x2], $0x4000, $0x38;
	[tilespmem:$0x18100] =	vst v63  }
0x75: {  	_ =	swait.ge [sflag:s20], $0x4000  }
0x76: {  	[sflag:s20] =	ssyncset.done $0x0  }
0x77: {  	[sflag:s20] =	ssyncadd.s32 $0xFFFFC000  }
0x78: {  	[tilespmem:s19], [sflag:$0x2] =	stream.linear.gather [spmem:s9], $0x4000, $0x38;
	[tilespmem:$0x18100] =	vst v63  }
0x79: {  	_ =	swait.ge [sflag:s20], $0x4000  }
0x7a: {  	[sflag:s20] =	ssyncset.done $0x0  }
0x7b: {  	[sflag:s20] =	ssyncadd.s32 $0xFFFFC000  }
0x7c: {  	[hbm4b:s14+s4] =	stream.linear.scatter [tilespmem:s19], [sflag:$0x2], $0x4000, $0x38;
	[tilespmem:$0x18100] =	vst v63  }
0x7d: {  	_ =	swait.ge [sflag:s20], $0x4000  }
0x7e: {  	[sflag:s20] =	ssyncset.done $0x0  }
0x7f: {  	[sflag:s20] =	ssyncadd.s32 $0xFFFFC000  }
0x80: {  	[tilespmem:s19], [sflag:$0x2] =	stream.linear.gather [spmem:s10], $0x4000, $0x38;
	[tilespmem:$0x18100] =	vst v63  }
0x81: {  	s23 =	sadd.s32 $0x1, s23;
	_ =	swait.ge [sflag:s20], $0x4000  }
0x82: {  	p0 =	sne.s32 s23, s16;
	[sflag:s20] =	ssyncset.done $0x0  }
.Ltmp1:
0x83: {  	[sflag:s20] =	ssyncadd.s32 $0xFFFFC000;
	(pc) =	sbr.rel @p0 .LBB2_1-.Ltmp1, $4  }
0x84: {  	[hbm4b:s15+s4] =	stream.linear.scatter [tilespmem:s19], [sflag:$0x2], $0x4000, $0x38;
	[tilespmem:$0x18100] =	vst v63  }
0x85: {  	_ =	swait.ge [sflag:s20], $0x4000  }
0x86: {  	[sflag:s20] =	ssyncset.done $0x0  }
0x87: {  	[sflag:s20] =	ssyncadd.s32 $0xFFFFC000  }
0x88: {  	_ =	sfence.sel $0x180000  }
0x89: {  	[bflag:$0x0] =	sbarrier.arrive $0xFFFF  }
0x8a: {  	p0 =	sne.s32 s3, $0x0;
	_ =	strace $0x9000004A  }
0x8b: {  	s0 =	sadd.s32 @!p0 $0x100000, s0;
	[bflag:$0x2] =	sbarrier.arrive $0xFFFF  }
0x8c: {  	[sflag:s0] =	ssyncadd.tile.s32 @!p0 $0x1;
	_ =	shalt  }
.Lfunc_end2:
_tile_overlayer_lowered:
.L_overlay_start_2:
0x8d: {  	(tag) =	ssettag $0x2  }
0x8e: {  	s0 =	rddreg [dreg:$0x0];
	s2 =	stileid.u32  }
0x8f: {  	s1 =	rddreg [dreg:$0x1];
	p0 =	sne.s32 s2, $0x0  }
0x90: {  	s3 =	rddreg [dreg:$0x2];
	[bflag:$0x3] =	sbarrier.arrive $0xFFFF;
	s2 =	simm.s32 @!p0 $0x1C02  }
0x91: {  	[timem:s3], [sflag:s2] =	dma.local @!p0 [hbm:s0], s1  }
0x92: {  	s0 =	simm.s32 @!p0 $0x2  }
0x93: {  	_ =	swait.ge @!p0 [sflag:s0], s1  }
0x94: {  	s1 =	ssub.s32 @!p0 $0x0, s1;
	[sflag:s0] =	ssyncset.done @!p0 $0x0  }
0x95: {  	[sflag:s0] =	ssyncadd.s32 @!p0 s1  }
0x96: {  	[bflag:$0x3] =	sbarrier.arrive $0xFFFF  }
0x97: {  	_ =	shalt  }

// kernel: kernel.14.cloned.1.call-start
scs
__scs_entry_jumppad:
0x0: {  	(pc) =	sbr.rel $0x88, $3  }
0x1: {  	(tag) =	ssettag $0x0;
	lr =	simm.s32 $0x1  }
0x2: {  	[smem:$0x3F9B] =	sst lr;
	_ =	strace $0xD0000000  }
0x3: {  	_ = 	snop  }
0x4: {  	_ = 	snop  }
0x5: {  	_ = 	snop  }
0x6: {  	_ = 	snop  }
0x7: {  	_ = 	snop  }
__scs_overlays_trampoline_lowered:
0x8: {  	[smem:$0x3FAA] =	sst s0  }
0x9: {  	[smem:$0x3FAB] =	sst s1  }
0xa: {  	[smem:$0x3FAC] =	sst s2  }
0xb: {  	[smem:$0x3FAD] =	sst s3  }
0xc: {  	[smem:$0x3FAE] =	sst s4  }
0xd: {  	[smem:$0x3FAF] =	sst s5  }
0xe: {  	[smem:$0x3FB0] =	sst s6  }
0xf: {  	[smem:$0x3FB1] =	sst s7  }
0x10: {  	[smem:$0x3FB2] =	sst s8  }
0x11: {  	[smem:$0x3FB3] =	sst s9;
	s0 =	simm.s32 @!p0 $0x0  }
0x12: {  	s1 =	sld [smem:$0x3F99];
	s0 =	simm.s32 @p0 $0x1  }
0x13: {  	[smem:$0x3FB4] =	sst s0;
	s0 =	simm.s32 @!p1 $0x0  }
0x14: {  	s2 =	sld [smem:$0x3F98];
	s0 =	simm.s32 @p1 $0x1  }
0x15: {  	[smem:$0x3FB5] =	sst s0;
	s0 =	simm.s32 @!p2 $0x0  }
0x16: {  	s3 =	sld [smem:$0x3FDB];
	s0 =	simm.s32 @p2 $0x1  }
0x17: {  	s4 =	simm.s32 $0x1BF5;
	[smem:$0x3FB7] =	sst s0  }
0x18: {  	s0 =	sld [smem:$0x3F9A];
	_ =	swait.ge [sflag:s4], $0x0  }
0x19: {  	s7 =	sld [smem:$0x3F9B]  }
0x1a: {  	s8 =	sadd.s32 $0xFFFFE003, lr  }
0x1b: {  	s9 =	sadd.s32 $0xFFFFFEF7, lr;
	s5 =	simm.s32 $0xFFFFFFFF;
	p2 =	slt.u32 s8, $0xFFFFF086  }
0x1c: {  	p1 =	slt.u32 s9, $0xF7A;
	s5 =	simm.s32 @!p2 $0x0  }
0x1d: {  	s5 =	simm.s32 @p1 $0x1;
	p0 =	seq.s32 s7, s2  }
0x1e: {  	s7 =	smul.u32 @!p0 $0xF7A, s2;
	p2 =	seq.s32 @!p0 s5, $0x0  }
0x1f: {  	s9 =	smul.u32 $0xF7A, s1;
	s8 =	simm.s32 @!p0 $0x1BF5;
	p2 =	por !p2, p0  }
0x20: {  	[sflag:s8] =	ssyncset.s32 @!p0 $0xFFFFF086;
	s6 =	sadd.s32 @!p0 s3, s7;
	s7 =	simm.s32 @!p0 $0x108  }
0x21: {  	s3 =	sadd.s32 s3, s9;
	s6 =	sadd.s32 @!p0 $0x88, s6;
	s7 =	simm.s32 @p2 $0x1082  }
0x22: {  	[simem:s7], [sflag:s8] =	dma.local @!p0 [hbm:s6], $0xF7A  }
0x23: {  	s9 =	sor.u32 $0xD0000000, s2;
	s6 =	simm.s32 $0x108;
	_ =	swait.ge @!p0 [sflag:s8], $0x0  }
0x24: {  	s3 =	sadd.s32 $0x88, s3;
	s6 =	simm.s32 @!p1 $0x1082;
	[sflag:s4] =	ssyncset.s32 $0xFFFFF086  }
0x25: {  	[simem:s6], [sflag:s4] =	dma.local [hbm:s3], $0xF7A  }
0x26: {  	[smem:$0x3F9B] =	sst s1;
	(tag) =	ssettag s2;
	_ =	strace s9  }
0x27: {  	s1 =	sld [smem:$0x3FAB]  }
0x28: {  	s2 =	sld [smem:$0x3FAC]  }
0x29: {  	s4 =	sld [smem:$0x3FAE]  }
0x2a: {  	p0 =	seq.s32 s5, $0x0;
	s5 =	sld [smem:$0x3FAF]  }
0x2b: {  	s6 =	sld [smem:$0x3FB0]  }
0x2c: {  	s7 =	sld [smem:$0x3FB1]  }
0x2d: {  	s3 =	simm.s32 $0x108;
	s8 =	sld [smem:$0x3FB2]  }
0x2e: {  	s3 =	simm.s32 @!p0 $0x1082;
	s9 =	sld [smem:$0x3FB3]  }
0x2f: {  	lr =	sadd.s32 s0, s3;
	s0 =	sld [smem:$0x3FAA]  }
0x30: {  	s3 =	sld [smem:$0x3FAD]  }
0x31: {  	[smem:$0x3FB6] =	sst s10  }
0x32: {  	s10 =	sld [smem:$0x3FB4];
	_ =	sdelay $0x3  }
0x33: {  	p0 =	seq.s32 s10, $0x1;
	s10 =	sld [smem:$0x3FB6];
	_ =	sdelay $0x3  }
0x34: {  	[smem:$0x3FB6] =	sst s10  }
0x35: {  	s10 =	sld [smem:$0x3FB5];
	_ =	sdelay $0x3  }
0x36: {  	p1 =	seq.s32 s10, $0x1;
	s10 =	sld [smem:$0x3FB6];
	_ =	sdelay $0x3  }
0x37: {  	[smem:$0x3FB6] =	sst s10  }
0x38: {  	s10 =	sld [smem:$0x3FB7]  }
0x39: {  	_ = 	snop;
	(pc) =	sbr.ind lr, $3  }
0x3a: {  	_ = 	snop  }
0x3b: {  	_ = 	snop  }
0x3c: {  	p2 =	seq.s32 s10, $0x1;
	s10 =	sld [smem:$0x3FB6]  }
0x3d: {  	_ =	shalt  }
0x3e: {  	_ =	shalt  }
0x3f: {  	_ =	shalt  }
0x40: {  	_ =	shalt  }
0x41: {  	_ =	shalt  }
0x42: {  	_ =	shalt  }
0x43: {  	_ =	shalt  }
0x44: {  	_ =	shalt  }
0x45: {  	_ =	shalt  }
0x46: {  	_ =	shalt  }
0x47: {  	_ =	shalt  }
0x48: {  	_ =	shalt  }
0x49: {  	_ =	shalt  }
0x4a: {  	_ =	shalt  }
0x4b: {  	_ =	shalt  }
0x4c: {  	_ =	shalt  }
0x4d: {  	_ =	shalt  }
0x4e: {  	_ =	shalt  }
0x4f: {  	_ =	shalt  }
0x50: {  	_ =	shalt  }
0x51: {  	_ =	shalt  }
0x52: {  	_ =	shalt  }
0x53: {  	_ =	shalt  }
0x54: {  	_ =	shalt  }
0x55: {  	_ =	shalt  }
0x56: {  	_ =	shalt  }
0x57: {  	_ =	shalt  }
0x58: {  	_ =	shalt  }
0x59: {  	_ =	shalt  }
0x5a: {  	_ =	shalt  }
0x5b: {  	_ =	shalt  }
0x5c: {  	_ =	shalt  }
0x5d: {  	_ =	shalt  }
0x5e: {  	_ =	shalt  }
0x5f: {  	_ =	shalt  }
0x60: {  	_ =	shalt  }
0x61: {  	_ =	shalt  }
0x62: {  	_ =	shalt  }
0x63: {  	_ =	shalt  }
0x64: {  	_ =	shalt  }
0x65: {  	_ =	shalt  }
0x66: {  	_ =	shalt  }
0x67: {  	_ =	shalt  }
0x68: {  	_ =	shalt  }
0x69: {  	_ =	shalt  }
0x6a: {  	_ =	shalt  }
0x6b: {  	_ =	shalt  }
0x6c: {  	_ =	shalt  }
0x6d: {  	_ =	shalt  }
0x6e: {  	_ =	shalt  }
0x6f: {  	_ =	shalt  }
0x70: {  	_ =	shalt  }
0x71: {  	_ =	shalt  }
0x72: {  	_ =	shalt  }
0x73: {  	_ =	shalt  }
0x74: {  	_ =	shalt  }
0x75: {  	_ =	shalt  }
0x76: {  	_ =	shalt  }
0x77: {  	_ =	shalt  }
0x78: {  	_ =	shalt  }
0x79: {  	_ =	shalt  }
0x7a: {  	_ =	shalt  }
0x7b: {  	_ =	shalt  }
0x7c: {  	_ =	shalt  }
0x7d: {  	_ =	shalt  }
0x7e: {  	_ =	shalt  }
0x7f: {  	_ =	shalt  }
0x80: {  	_ =	shalt  }
0x81: {  	_ =	shalt  }
0x82: {  	_ =	shalt  }
0x83: {  	_ =	shalt  }
0x84: {  	_ =	shalt  }
0x85: {  	_ =	shalt  }
0x86: {  	_ =	shalt  }
0x87: {  	_ =	shalt  }
.Lfunc_end0:
.L_simem_size_0:
called_computation.2_lowered:
.L_overlay_start_0:
0x88: {  	s2 =	sld [smem:$0x3FD9]  }
0x89: {  	s3 =	sld [smem:$0x3FFE];
	_ =	sdelay $0x1  }
0x8a: {  	s1 =	srdreg.scid  }
0x8b: {  	s0 =	sand.u32 $0x1, s1  }
0x8c: {  	s17 =	sshll.u32 s0, $0xA;
	s2 =	sadd.s32 s3, s2  }
0x8d: {  	s2 =	sadd.s32 s2, s17  }
0x8e: {  	[smem:$0x3FC2] =	sst s2  }
0x8f: {  	_ = 	snop  }
0x90: {  	s2 =	sld [smem:$0x3FD0];
	(tm) =	ssettm $0x1  }
0x91: {  	s18 =	sld [smem:$0x3FFB];
	_ =	sdelay $0x3  }
0x92: {  	_ =	strace s18  }
0x93: {  	s3 =	sld [smem:$0x3FFC];
	_ =	sdelay $0x3  }
0x94: {  	_ =	strace s3  }
0x95: {  	s3 =	sld [smem:$0x3FFD];
	_ =	sdelay $0x3  }
0x96: {  	_ =	strace s3  }
0x97: {  	_ =	strace $0x8FFFFFFF  }
0x98: {  	s19 =	sld [smem:$0x3FDB];
	_ =	sdelay $0x1  }
0x99: {  	s4 =	simm.s32 $_scs_section_size  }
0x9a: {  	s5 =	simm.s32 $_size__tile_overlayer_lowered;
	s6 =	simm.s32 $_tile_overlayer_lowered  }
0x9b: {  	s22 =	simm.s32 $0x1BFF;
	s21 =	sshll.u32 s6, $0x1;
	s3 =	sadd.s32 s4, s19  }
0x9c: {  	s7 =	simm.s32 $0x0;
	s20 =	sshll.u32 s5, $0x1;
	s5 =	sadd.s32 s21, s3  }
0x9d: {  	[timem:s7], [sflag:s22] =	dma.local [hbm:s5], s20  }
0x9e: {  	_ =	swait.ge [sflag:s22], s20  }
0x9f: {  	s4 =	ssub.s32 $0x0, s20;
	[sflag:s22] =	ssyncset.done $0x0  }
0xa0: {  	[sflag:s22] =	ssyncadd.s32 s4;
	_ =	sdelay $0x1  }
0xa1: {  	s23 =	simm.s32 $0x1B8B  }
0xa2: {  	_ =	swait.ge [sflag:s23], $0x1  }
0xa3: {  	[sflag:s23] =	ssyncset.done $0x0  }
0xa4: {  	s25 =	simm.s32 $0x1B8E;
	s24 =	sld [smem:$0x3FFE];
	[sflag:s23] =	ssyncadd.s32 $0xFFFFFFFF  }
0xa5: {  	s26 =	simm.s32 $execute0_lowered;
	[smem:$0x3FD2] =	sst s25  }
0xa6: {  	s5 =	sshll.u32 s26, $0x1;
	_ =	strace $0x8000004C;
	[dreg:$0x1] =	wrdreg $0xFFFFFFFF  }
0xa7: {  	s28 =	simm.s32 $_size_execute0_lowered;
	s3 =	sadd.s32 s3, s5;
	[dreg:$0x0] =	wrdreg $0x0  }
0xa8: {  	s5 =	sshll.u32 s28, $0x1;
	[dreg:$0x2] =	wrdreg s3  }
0xa9: {  	[dreg:$0x3] =	wrdreg s5  }
0xaa: {  	[dreg:$0x4] =	wrdreg $0xC0  }
0xab: {  	_ =	task [dreg:s7], $0x5FFFF  }
0xac: {  	[dreg:$0x1] =	wrdreg $0xFFFFFFFF  }
0xad: {  	[dreg:$0x0] =	wrdreg $0x60  }
0xae: {  	[dreg:$0x2] =	wrdreg s24  }
0xaf: {  	[dreg:$0x3] =	wrdreg s2  }
0xb0: {  	[dreg:$0x4] =	wrdreg $0x41000  }
0xb1: {  	[dreg:$0x5] =	wrdreg $0x9  }
0xb2: {  	_ =	task.clear_ibuf [dreg:s7], $0x6FFFF;
	_ =	strace $0x9000004C  }
0xb3: {  	s29 =	simm.s32 $0x9;
	_ =	strace $0x8000004E  }
0xb4: {  	_ =	swait.ge [sflag:s29], $0x1  }
0xb5: {  	[sflag:s29] =	ssyncadd.s32 $0xFFFFFFFF  }
0xb6: {  	_ =	strace $0x9000004E  }
0xb7: {  	_ =	sfence  }
0xb8: {  	s30 =	sld [smem:$0x0];
	_ =	sdelay $0x2  }
0xb9: {  	s31 =	sshll.u32 s1, $0xD;
	s1 =	sshrl.u32 s1, $0x2  }
0xba: {  	s3 =	sand.u32 $0x4000, s31;
	s1 =	sadd.s32 s1, s30  }
0xbb: {  	s0 =	sor.u32 s3, s0;
	s1 =	sshll.u32 s1, $0x11  }
0xbc: {  	s0 =	sor.u32 s1, s0  }
0xbd: {  	s0 =	sadd.s32 $0x8F2B, s0  }
0xbe: {  	[sflag:s0] =	ssyncadd.remote.s32 $0x1  }
0xbf: {  	_ =	sfence.sel $0xFFFF  }
0xc0: {  	[dreg:$0x0] =	wrdreg $0xFFFFFFFF;
	(pc) =	sbr.abs _section_cstart, $3  }
0xc1: {  	[dreg:$0x1] =	wrdreg $0xFFFFFFFF  }
0xc2: {  	_ =	task.clear_ibuf [dreg:s7], $0x2FFFF;
	_ =	strace $0x9FFFFFFF  }
0xc3: {  	(tm) =	ssettm $0x7FFFFFFF  }
tec
execute0_lowered:
.L_overlay_start_1:
0x0: {  	(tag) =	ssettag $0x1  }
0x1: {  	s6 =	rddreg [dreg:$0x0]  }
0x2: {  	s1 =	rddreg [dreg:$0x1]  }
0x3: {  	s0 =	srdreg.scid;
	s2 =	rddreg [dreg:$0x2]  }
0x4: {  	s4 =	simm.s32 $0x0;
	s3 =	stileid.u32;
	s21 =	simm.s32 $0x80  }
0x5: {  	s22 =	simm.s32 $0x1;
	s23 =	simm.s32 $0x0;
	s8 =	smul.u32 $0x50000, s3  }
0x6: {  	s7 =	sand.u32 $0x1, s0;
	s0 =	rddreg [dreg:$0x3];
	s10 =	smul.u32 $0x14000, s3  }
0x7: {  	[smem:$0x7FF] =	sst s4;
	s16 =	sadd.s32 $0x98A00, s6;
	s30 =	smul.u32 $0x4F0, s3  }
0x8: {  	s5 =	smul.u32 $0x4F00, s7;
	_ =	strace $0x8000004D;
	s9 =	ssub.s32 $0x2, s7  }
0x9: {  	s18 =	smul.u32 $0x140000, s7;
	s29 =	sshrl.u32 s9, $0x1;
	s8 =	sshrl.u32 s8, $0x2  }
0xa: {  	s11 =	sadd.s32 $0x4000, s10;
	s13 =	sadd.s32 $0x8000, s10;
	s14 =	sadd.s32 $0xC000, s10  }
0xb: {  	s19 =	sadd.s32 $0x10000, s10;
	s15 =	sadd.s32 s5, s6;
	s5 =	sadd.s32 $0x70A00, s6  }
0xc: {  	s17 =	ssub.s32 s9, s29;
	s6 =	sadd.s32 s8, s2;
	s7 =	sadd.s32 s11, s2  }
0xd: {  	s8 =	sadd.s32 s13, s2;
	s9 =	sadd.s32 s14, s2;
	s12 =	sadd.s32 s10, s18  }
0xe: {  	s11 =	sadd.s32 s18, s11;
	s10 =	sadd.s32 s19, s2;
	s13 =	sadd.s32 s18, s13  }
0xf: {  	s14 =	sadd.s32 s18, s14;
	s18 =	sadd.s32 s18, s19;
	s19 =	simm.s32 $0x100  }
0x10: {  	s12 =	sshrl.u32 s12, $0x3;
	s20 =	sshrl.u32 s11, $0x3;
	s13 =	sshrl.u32 s13, $0x3  }
0x11: {  	s14 =	sshrl.u32 s14, $0x3;
	s18 =	sshrl.u32 s18, $0x3;
	s31 =	sadd.s32 s30, s15  }
0x12: {  	s11 =	sadd.s32 s16, s12;
	s12 =	sadd.s32 s16, s20;
	s13 =	sadd.s32 s16, s13  }
0x13: {  	s14 =	sadd.s32 s16, s14;
	s15 =	sadd.s32 s16, s18;
	s16 =	smax.u32 s17, $0x1  }
0x14: {  	s17 =	sadd.s32 $0x2600, s31;
	s18 =	sadd.s32 $0xC400, s31;
	s20 =	simm.s32 $0x2  }
.LBB2_1:
0x15: {  	[tilespmem:s19], [sflag:$0x2] =	stream.linear.gather [hbm4b:s1+s4], $0x4000, $0x38;
	[tilespmem:$0x18100] =	vst v63  }
0x16: {  	_ =	swait.ge [sflag:s20], $0x4000  }
0x17: {  	[sflag:s20] =	ssyncset.done $0x0  }
0x18: {  	[sflag:s20] =	ssyncadd.s32 $0xFFFFC000  }
0x19: {  	[spmem:s6] =	stream.linear.scatter [tilespmem:s19], [sflag:$0x2], $0x4000, $0x38;
	[tilespmem:$0x18100] =	vst v63  }
0x1a: {  	_ =	swait.ge [sflag:s20], $0x4000  }
0x1b: {  	[sflag:s20] =	ssyncset.done $0x0  }
0x1c: {  	[sflag:s20] =	ssyncadd.s32 $0xFFFFC000  }
0x1d: {  	[spmem:s7] =	stream.linear.scatter [tilespmem:s19], [sflag:$0x2], $0x4000, $0x38;
	[tilespmem:$0x18100] =	vst v63  }
0x1e: {  	_ =	swait.ge [sflag:s20], $0x4000  }
0x1f: {  	[sflag:s20] =	ssyncset.done $0x0  }
0x20: {  	[sflag:s20] =	ssyncadd.s32 $0xFFFFC000  }
0x21: {  	[spmem:s8] =	stream.linear.scatter [tilespmem:s19], [sflag:$0x2], $0x4000, $0x38;
	[tilespmem:$0x18100] =	vst v63  }
0x22: {  	_ =	swait.ge [sflag:s20], $0x4000  }
0x23: {  	[sflag:s20] =	ssyncset.done $0x0  }
0x24: {  	[sflag:s20] =	ssyncadd.s32 $0xFFFFC000  }
0x25: {  	[spmem:s9] =	stream.linear.scatter [tilespmem:s19], [sflag:$0x2], $0x4000, $0x38;
	[tilespmem:$0x18100] =	vst v63  }
0x26: {  	_ =	swait.ge [sflag:s20], $0x4000  }
0x27: {  	[sflag:s20] =	ssyncset.done $0x0  }
0x28: {  	[sflag:s20] =	ssyncadd.s32 $0xFFFFC000  }
0x29: {  	[spmem:s10] =	stream.linear.scatter [tilespmem:s19], [sflag:$0x2], $0x4000, $0x38;
	[tilespmem:$0x18100] =	vst v63  }
0x2a: {  	_ =	swait.ge [sflag:s20], $0x4000  }
0x2b: {  	[sflag:s20] =	ssyncset.done $0x0  }
0x2c: {  	[sflag:s20] =	ssyncadd.s32 $0xFFFFC000  }
0x2d: {  	s24 =	sadd.s32 $0x0, s18;
	[bflag:$0x0] =	sbarrier.arrive $0xFFFF  }
0x2e: {  	[tilespmem:s4], [sflag:$0x2] =	stream.linear.gather [hbm4b:s24+s4], $0x80, $0x38;
	[tilespmem:$0x18100] =	vst v63  }
0x2f: {  	_ =	swait.ge [sflag:s20], $0x80  }
0x30: {  	[sflag:s20] =	ssyncset.done $0x0  }
0x31: {  	s31 =	sadd.s32 $0x0, s17;
	[sflag:s20] =	ssyncadd.s32 $0xFFFFFF80  }
0x32: {  	[tilespmem:s21], [sflag:$0x2] =	stream.linear.gather [hbm4b:s31+s4], $0x80, $0x38;
	[tilespmem:$0x18100] =	vst v63  }
0x33: {  	_ =	swait.ge [sflag:s20], $0x80  }
0x34: {  	[sflag:s20] =	ssyncset.done $0x0  }
0x35: {  	[sflag:s20] =	ssyncadd.s32 $0xFFFFFF80  }
0x36: {  	[tilespmem:s19], [sflag:$0x1] =	stream.indirect.gather [hbm4b:s5+s21], $0x80, s4, s21, $0xb8;
	[tilespmem:$0x18100] =	vst v63  }
0x37: {  	_ =	swait.ge [sflag:s22], $0x4000  }
0x38: {  	[sflag:s22] =	ssyncset.done $0x0  }
0x39: {  	[sflag:s22] =	ssyncadd.s32 $0xFFFFC000  }
0x3a: {  	[spmem:s2] =	stream.indirect.scatter.add.f32 [tilespmem:s19], [sflag:$0x2], $0x80, s21, s21, $0xb8;
	[tilespmem:$0x18100] =	vst v63  }
0x3b: {  	_ =	swait.ge [sflag:s20], $0x4000  }
0x3c: {  	s25 =	simm.s32 $0x20;
	s24 =	simm.s32 $0x10;
	[sflag:s20] =	ssyncset.done $0x0  }
.LBB2_2:
0x3d: {  	s26 =	sadd.s32 s24, s18  }
0x3e: {  	[sflag:s20] =	ssyncadd.s32 $0xFFFFC000;
	s28 =	smov.u32 s25;
	s29 =	sadd.s32 $0x10, s25  }
0x3f: {  	[tilespmem:s4], [sflag:$0x2] =	stream.linear.gather [hbm4b:s26+s4], $0x80, $0x38;
	[tilespmem:$0x18100] =	vst v63  }
0x40: {  	p0 =	sne.s32 s25, $0x4E0;
	_ =	swait.ge [sflag:s20], $0x80  }
0x41: {  	[sflag:s20] =	ssyncset.done $0x0  }
0x42: {  	s25 =	sadd.s32 s24, s17;
	s24 =	smov.u32 s28;
	[sflag:s20] =	ssyncadd.s32 $0xFFFFFF80  }
0x43: {  	[tilespmem:s21], [sflag:$0x2] =	stream.linear.gather [hbm4b:s25+s4], $0x80, $0x38;
	[tilespmem:$0x18100] =	vst v63  }
0x44: {  	_ =	swait.ge [sflag:s20], $0x80  }
0x45: {  	[sflag:s20] =	ssyncset.done $0x0  }
0x46: {  	[sflag:s20] =	ssyncadd.s32 $0xFFFFFF80  }
0x47: {  	[tilespmem:s19], [sflag:$0x1] =	stream.indirect.gather [hbm4b:s5+s21], $0x80, s4, s21, $0xb8;
	[tilespmem:$0x18100] =	vst v63  }
0x48: {  	_ =	swait.ge [sflag:s22], $0x4000  }
.Ltmp0:
0x49: {  	[sflag:s22] =	ssyncset.done $0x0;
	(pc) =	sbr.rel @p0 .LBB2_2-.Ltmp0, $4  }
0x4a: {  	[sflag:s22] =	ssyncadd.s32 $0xFFFFC000  }
0x4b: {  	[spmem:s2] =	stream.indirect.scatter.add.f32 [tilespmem:s19], [sflag:$0x2], $0x80, s21, s21, $0xb8;
	[tilespmem:$0x18100] =	vst v63  }
0x4c: {  	_ =	swait.ge [sflag:s20], $0x4000  }
0x4d: {  	s25 =	smov.u32 s29;
	[sflag:s20] =	ssyncset.done $0x0  }
0x4e: {  	s25 =	sadd.s32 s24, s18;
	[sflag:s20] =	ssyncadd.s32 $0xFFFFC000  }
0x4f: {  	[tilespmem:s4], [sflag:$0x2] =	stream.linear.gather [hbm4b:s25+s4], $0x80, $0x38;
	[tilespmem:$0x18100] =	vst v63  }
0x50: {  	_ =	swait.ge [sflag:s20], $0x80  }
0x51: {  	[sflag:s20] =	ssyncset.done $0x0  }
0x52: {  	s31 =	sadd.s32 s24, s17;
	[sflag:s20] =	ssyncadd.s32 $0xFFFFFF80  }
0x53: {  	[tilespmem:s21], [sflag:$0x2] =	stream.linear.gather [hbm4b:s31+s4], $0x80, $0x38;
	[tilespmem:$0x18100] =	vst v63  }
0x54: {  	_ =	swait.ge [sflag:s20], $0x80  }
0x55: {  	[sflag:s20] =	ssyncset.done $0x0  }
0x56: {  	[sflag:s20] =	ssyncadd.s32 $0xFFFFFF80  }
0x57: {  	[tilespmem:s19], [sflag:$0x1] =	stream.indirect.gather [hbm4b:s5+s21], $0x80, s4, s21, $0xb8;
	[tilespmem:$0x18100] =	vst v63  }
0x58: {  	_ =	swait.ge [sflag:s22], $0x4000  }
0x59: {  	[sflag:s22] =	ssyncset.done $0x0  }
0x5a: {  	[sflag:s22] =	ssyncadd.s32 $0xFFFFC000  }
0x5b: {  	[spmem:s2] =	stream.indirect.scatter.add.f32 [tilespmem:s19], [sflag:$0x2], $0x80, s21, s21, $0xb8;
	[tilespmem:$0x18100] =	vst v63  }
0x5c: {  	_ =	swait.ge [sflag:s20], $0x4000  }
0x5d: {  	[sflag:s20] =	ssyncset.done $0x0  }
0x5e: {  	[sflag:s20] =	ssyncadd.s32 $0xFFFFC000  }
0x5f: {  	[bflag:$0x0] =	sbarrier.arrive $0xFFFF  }
0x60: {  	[tilespmem:s19], [sflag:$0x2] =	stream.linear.gather [spmem:s6], $0x4000, $0x38;
	[tilespmem:$0x18100] =	vst v63  }
0x61: {  	_ =	swait.ge [sflag:s20], $0x4000  }
0x62: {  	[sflag:s20] =	ssyncset.done $0x0  }
0x63: {  	[sflag:s20] =	ssyncadd.s32 $0xFFFFC000  }
0x64: {  	[hbm4b:s11+s4] =	stream.linear.scatter [tilespmem:s19], [sflag:$0x2], $0x4000, $0x38;
	[tilespmem:$0x18100] =	vst v63  }
0x65: {  	_ =	swait.ge [sflag:s20], $0x4000  }
0x66: {  	[sflag:s20] =	ssyncset.done $0x0  }
0x67: {  	[sflag:s20] =	ssyncadd.s32 $0xFFFFC000  }
0x68: {  	[tilespmem:s19], [sflag:$0x2] =	stream.linear.gather [spmem:s7], $0x4000, $0x38;
	[tilespmem:$0x18100] =	vst v63  }
0x69: {  	_ =	swait.ge [sflag:s20], $0x4000  }
0x6a: {  	[sflag:s20] =	ssyncset.done $0x0  }
0x6b: {  	[sflag:s20] =	ssyncadd.s32 $0xFFFFC000  }
0x6c: {  	[hbm4b:s12+s4] =	stream.linear.scatter [tilespmem:s19], [sflag:$0x2], $0x4000, $0x38;
	[tilespmem:$0x18100] =	vst v63  }
0x6d: {  	_ =	swait.ge [sflag:s20], $0x4000  }
0x6e: {  	[sflag:s20] =	ssyncset.done $0x0  }
0x6f: {  	[sflag:s20] =	ssyncadd.s32 $0xFFFFC000  }
0x70: {  	[tilespmem:s19], [sflag:$0x2] =	stream.linear.gather [spmem:s8], $0x4000, $0x38;
	[tilespmem:$0x18100] =	vst v63  }
0x71: {  	_ =	swait.ge [sflag:s20], $0x4000  }
0x72: {  	[sflag:s20] =	ssyncset.done $0x0  }
0x73: {  	[sflag:s20] =	ssyncadd.s32 $0xFFFFC000  }
0x74: {  	[hbm4b:s13+s4] =	stream.linear.scatter [tilespmem:s19], [sflag:$0x2], $0x4000, $0x38;
	[tilespmem:$0x18100] =	vst v63  }
0x75: {  	_ =	swait.ge [sflag:s20], $0x4000  }
0x76: {  	[sflag:s20] =	ssyncset.done $0x0  }
0x77: {  	[sflag:s20] =	ssyncadd.s32 $0xFFFFC000  }
0x78: {  	[tilespmem:s19], [sflag:$0x2] =	stream.linear.gather [spmem:s9], $0x4000, $0x38;
	[tilespmem:$0x18100] =	vst v63  }
0x79: {  	_ =	swait.ge [sflag:s20], $0x4000  }
0x7a: {  	[sflag:s20] =	ssyncset.done $0x0  }
0x7b: {  	[sflag:s20] =	ssyncadd.s32 $0xFFFFC000  }
0x7c: {  	[hbm4b:s14+s4] =	stream.linear.scatter [tilespmem:s19], [sflag:$0x2], $0x4000, $0x38;
	[tilespmem:$0x18100] =	vst v63  }
0x7d: {  	_ =	swait.ge [sflag:s20], $0x4000  }
0x7e: {  	[sflag:s20] =	ssyncset.done $0x0  }
0x7f: {  	[sflag:s20] =	ssyncadd.s32 $0xFFFFC000  }
0x80: {  	[tilespmem:s19], [sflag:$0x2] =	stream.linear.gather [spmem:s10], $0x4000, $0x38;
	[tilespmem:$0x18100] =	vst v63  }
0x81: {  	s23 =	sadd.s32 $0x1, s23;
	_ =	swait.ge [sflag:s20], $0x4000  }
0x82: {  	p0 =	sne.s32 s23, s16;
	[sflag:s20] =	ssyncset.done $0x0  }
.Ltmp1:
0x83: {  	[sflag:s20] =	ssyncadd.s32 $0xFFFFC000;
	(pc) =	sbr.rel @p0 .LBB2_1-.Ltmp1, $4  }
0x84: {  	[hbm4b:s15+s4] =	stream.linear.scatter [tilespmem:s19], [sflag:$0x2], $0x4000, $0x38;
	[tilespmem:$0x18100] =	vst v63  }
0x85: {  	_ =	swait.ge [sflag:s20], $0x4000  }
0x86: {  	[sflag:s20] =	ssyncset.done $0x0  }
0x87: {  	[sflag:s20] =	ssyncadd.s32 $0xFFFFC000  }
0x88: {  	_ =	sfence.sel $0x180000  }
0x89: {  	[bflag:$0x0] =	sbarrier.arrive $0xFFFF  }
0x8a: {  	p0 =	sne.s32 s3, $0x0;
	_ =	strace $0x9000004D  }
0x8b: {  	s0 =	sadd.s32 @!p0 $0x100000, s0;
	[bflag:$0x2] =	sbarrier.arrive $0xFFFF  }
0x8c: {  	[sflag:s0] =	ssyncadd.tile.s32 @!p0 $0x1;
	_ =	shalt  }
.Lfunc_end2:
_tile_overlayer_lowered:
.L_overlay_start_2:
0x8d: {  	(tag) =	ssettag $0x2  }
0x8e: {  	s0 =	rddreg [dreg:$0x0];
	s2 =	stileid.u32  }
0x8f: {  	s1 =	rddreg [dreg:$0x1];
	p0 =	sne.s32 s2, $0x0  }
0x90: {  	s3 =	rddreg [dreg:$0x2];
	[bflag:$0x3] =	sbarrier.arrive $0xFFFF;
	s2 =	simm.s32 @!p0 $0x1C02  }
0x91: {  	[timem:s3], [sflag:s2] =	dma.local @!p0 [hbm:s0], s1  }
0x92: {  	s0 =	simm.s32 @!p0 $0x2  }
0x93: {  	_ =	swait.ge @!p0 [sflag:s0], s1  }
0x94: {  	s1 =	ssub.s32 @!p0 $0x0, s1;
	[sflag:s0] =	ssyncset.done @!p0 $0x0  }
0x95: {  	[sflag:s0] =	ssyncadd.s32 @!p0 s1  }
0x96: {  	[bflag:$0x3] =	sbarrier.arrive $0xFFFF  }
0x97: {  	_ =	shalt  }

// kernel: kernel.8.cloned.1.call-start
scs
__scs_entry_jumppad:
0x0: {  	(pc) =	sbr.rel $0x88, $3  }
0x1: {  	(tag) =	ssettag $0x0;
	lr =	simm.s32 $0x1  }
0x2: {  	[smem:$0x3F9B] =	sst lr;
	_ =	strace $0xD0000000  }
0x3: {  	_ = 	snop  }
0x4: {  	_ = 	snop  }
0x5: {  	_ = 	snop  }
0x6: {  	_ = 	snop  }
0x7: {  	_ = 	snop  }
__scs_overlays_trampoline_lowered:
0x8: {  	[smem:$0x3FAA] =	sst s0  }
0x9: {  	[smem:$0x3FAB] =	sst s1  }
0xa: {  	[smem:$0x3FAC] =	sst s2  }
0xb: {  	[smem:$0x3FAD] =	sst s3  }
0xc: {  	[smem:$0x3FAE] =	sst s4  }
0xd: {  	[smem:$0x3FAF] =	sst s5  }
0xe: {  	[smem:$0x3FB0] =	sst s6  }
0xf: {  	[smem:$0x3FB1] =	sst s7  }
0x10: {  	[smem:$0x3FB2] =	sst s8  }
0x11: {  	[smem:$0x3FB3] =	sst s9;
	s0 =	simm.s32 @!p0 $0x0  }
0x12: {  	s1 =	sld [smem:$0x3F99];
	s0 =	simm.s32 @p0 $0x1  }
0x13: {  	[smem:$0x3FB4] =	sst s0;
	s0 =	simm.s32 @!p1 $0x0  }
0x14: {  	s2 =	sld [smem:$0x3F98];
	s0 =	simm.s32 @p1 $0x1  }
0x15: {  	[smem:$0x3FB5] =	sst s0;
	s0 =	simm.s32 @!p2 $0x0  }
0x16: {  	s3 =	sld [smem:$0x3FDB];
	s0 =	simm.s32 @p2 $0x1  }
0x17: {  	s4 =	simm.s32 $0x1BF5;
	[smem:$0x3FB7] =	sst s0  }
0x18: {  	s0 =	sld [smem:$0x3F9A];
	_ =	swait.ge [sflag:s4], $0x0  }
0x19: {  	s7 =	sld [smem:$0x3F9B]  }
0x1a: {  	s8 =	sadd.s32 $0xFFFFE003, lr  }
0x1b: {  	s9 =	sadd.s32 $0xFFFFFEF7, lr;
	s5 =	simm.s32 $0xFFFFFFFF;
	p2 =	slt.u32 s8, $0xFFFFF086  }
0x1c: {  	p1 =	slt.u32 s9, $0xF7A;
	s5 =	simm.s32 @!p2 $0x0  }
0x1d: {  	s5 =	simm.s32 @p1 $0x1;
	p0 =	seq.s32 s7, s2  }
0x1e: {  	s7 =	smul.u32 @!p0 $0xF7A, s2;
	p2 =	seq.s32 @!p0 s5, $0x0  }
0x1f: {  	s9 =	smul.u32 $0xF7A, s1;
	s8 =	simm.s32 @!p0 $0x1BF5;
	p2 =	por !p2, p0  }
0x20: {  	[sflag:s8] =	ssyncset.s32 @!p0 $0xFFFFF086;
	s6 =	sadd.s32 @!p0 s3, s7;
	s7 =	simm.s32 @!p0 $0x108  }
0x21: {  	s3 =	sadd.s32 s3, s9;
	s6 =	sadd.s32 @!p0 $0x88, s6;
	s7 =	simm.s32 @p2 $0x1082  }
0x22: {  	[simem:s7], [sflag:s8] =	dma.local @!p0 [hbm:s6], $0xF7A  }
0x23: {  	s9 =	sor.u32 $0xD0000000, s2;
	s6 =	simm.s32 $0x108;
	_ =	swait.ge @!p0 [sflag:s8], $0x0  }
0x24: {  	s3 =	sadd.s32 $0x88, s3;
	s6 =	simm.s32 @!p1 $0x1082;
	[sflag:s4] =	ssyncset.s32 $0xFFFFF086  }
0x25: {  	[simem:s6], [sflag:s4] =	dma.local [hbm:s3], $0xF7A  }
0x26: {  	[smem:$0x3F9B] =	sst s1;
	(tag) =	ssettag s2;
	_ =	strace s9  }
0x27: {  	s1 =	sld [smem:$0x3FAB]  }
0x28: {  	s2 =	sld [smem:$0x3FAC]  }
0x29: {  	s4 =	sld [smem:$0x3FAE]  }
0x2a: {  	p0 =	seq.s32 s5, $0x0;
	s5 =	sld [smem:$0x3FAF]  }
0x2b: {  	s6 =	sld [smem:$0x3FB0]  }
0x2c: {  	s7 =	sld [smem:$0x3FB1]  }
0x2d: {  	s3 =	simm.s32 $0x108;
	s8 =	sld [smem:$0x3FB2]  }
0x2e: {  	s3 =	simm.s32 @!p0 $0x1082;
	s9 =	sld [smem:$0x3FB3]  }
0x2f: {  	lr =	sadd.s32 s0, s3;
	s0 =	sld [smem:$0x3FAA]  }
0x30: {  	s3 =	sld [smem:$0x3FAD]  }
0x31: {  	[smem:$0x3FB6] =	sst s10  }
0x32: {  	s10 =	sld [smem:$0x3FB4];
	_ =	sdelay $0x3  }
0x33: {  	p0 =	seq.s32 s10, $0x1;
	s10 =	sld [smem:$0x3FB6];
	_ =	sdelay $0x3  }
0x34: {  	[smem:$0x3FB6] =	sst s10  }
0x35: {  	s10 =	sld [smem:$0x3FB5];
	_ =	sdelay $0x3  }
0x36: {  	p1 =	seq.s32 s10, $0x1;
	s10 =	sld [smem:$0x3FB6];
	_ =	sdelay $0x3  }
0x37: {  	[smem:$0x3FB6] =	sst s10  }
0x38: {  	s10 =	sld [smem:$0x3FB7]  }
0x39: {  	_ = 	snop;
	(pc) =	sbr.ind lr, $3  }
0x3a: {  	_ = 	snop  }
0x3b: {  	_ = 	snop  }
0x3c: {  	p2 =	seq.s32 s10, $0x1;
	s10 =	sld [smem:$0x3FB6]  }
0x3d: {  	_ =	shalt  }
0x3e: {  	_ =	shalt  }
0x3f: {  	_ =	shalt  }
0x40: {  	_ =	shalt  }
0x41: {  	_ =	shalt  }
0x42: {  	_ =	shalt  }
0x43: {  	_ =	shalt  }
0x44: {  	_ =	shalt  }
0x45: {  	_ =	shalt  }
0x46: {  	_ =	shalt  }
0x47: {  	_ =	shalt  }
0x48: {  	_ =	shalt  }
0x49: {  	_ =	shalt  }
0x4a: {  	_ =	shalt  }
0x4b: {  	_ =	shalt  }
0x4c: {  	_ =	shalt  }
0x4d: {  	_ =	shalt  }
0x4e: {  	_ =	shalt  }
0x4f: {  	_ =	shalt  }
0x50: {  	_ =	shalt  }
0x51: {  	_ =	shalt  }
0x52: {  	_ =	shalt  }
0x53: {  	_ =	shalt  }
0x54: {  	_ =	shalt  }
0x55: {  	_ =	shalt  }
0x56: {  	_ =	shalt  }
0x57: {  	_ =	shalt  }
0x58: {  	_ =	shalt  }
0x59: {  	_ =	shalt  }
0x5a: {  	_ =	shalt  }
0x5b: {  	_ =	shalt  }
0x5c: {  	_ =	shalt  }
0x5d: {  	_ =	shalt  }
0x5e: {  	_ =	shalt  }
0x5f: {  	_ =	shalt  }
0x60: {  	_ =	shalt  }
0x61: {  	_ =	shalt  }
0x62: {  	_ =	shalt  }
0x63: {  	_ =	shalt  }
0x64: {  	_ =	shalt  }
0x65: {  	_ =	shalt  }
0x66: {  	_ =	shalt  }
0x67: {  	_ =	shalt  }
0x68: {  	_ =	shalt  }
0x69: {  	_ =	shalt  }
0x6a: {  	_ =	shalt  }
0x6b: {  	_ =	shalt  }
0x6c: {  	_ =	shalt  }
0x6d: {  	_ =	shalt  }
0x6e: {  	_ =	shalt  }
0x6f: {  	_ =	shalt  }
0x70: {  	_ =	shalt  }
0x71: {  	_ =	shalt  }
0x72: {  	_ =	shalt  }
0x73: {  	_ =	shalt  }
0x74: {  	_ =	shalt  }
0x75: {  	_ =	shalt  }
0x76: {  	_ =	shalt  }
0x77: {  	_ =	shalt  }
0x78: {  	_ =	shalt  }
0x79: {  	_ =	shalt  }
0x7a: {  	_ =	shalt  }
0x7b: {  	_ =	shalt  }
0x7c: {  	_ =	shalt  }
0x7d: {  	_ =	shalt  }
0x7e: {  	_ =	shalt  }
0x7f: {  	_ =	shalt  }
0x80: {  	_ =	shalt  }
0x81: {  	_ =	shalt  }
0x82: {  	_ =	shalt  }
0x83: {  	_ =	shalt  }
0x84: {  	_ =	shalt  }
0x85: {  	_ =	shalt  }
0x86: {  	_ =	shalt  }
0x87: {  	_ =	shalt  }
.Lfunc_end0:
.L_simem_size_0:
called_computation_lowered:
.L_overlay_start_0:
0x88: {  	s2 =	sld [smem:$0x3FD9]  }
0x89: {  	s3 =	sld [smem:$0x3FFE];
	_ =	sdelay $0x1  }
0x8a: {  	s1 =	srdreg.scid  }
0x8b: {  	s0 =	sand.u32 $0x1, s1  }
0x8c: {  	s17 =	sshll.u32 s0, $0xA;
	s2 =	sadd.s32 s3, s2  }
0x8d: {  	s2 =	sadd.s32 s2, s17  }
0x8e: {  	[smem:$0x3FC2] =	sst s2  }
0x8f: {  	_ = 	snop  }
0x90: {  	s2 =	sld [smem:$0x3FD0];
	(tm) =	ssettm $0x1  }
0x91: {  	s18 =	sld [smem:$0x3FFB];
	_ =	sdelay $0x3  }
0x92: {  	_ =	strace s18  }
0x93: {  	s3 =	sld [smem:$0x3FFC];
	_ =	sdelay $0x3  }
0x94: {  	_ =	strace s3  }
0x95: {  	s3 =	sld [smem:$0x3FFD];
	_ =	sdelay $0x3  }
0x96: {  	_ =	strace s3  }
0x97: {  	_ =	strace $0x8FFFFFFF  }
0x98: {  	s19 =	sld [smem:$0x3FDB];
	_ =	sdelay $0x1  }
0x99: {  	s4 =	simm.s32 $_scs_section_size  }
0x9a: {  	s5 =	simm.s32 $_size__tile_overlayer_lowered;
	s6 =	simm.s32 $_tile_overlayer_lowered  }
0x9b: {  	s22 =	simm.s32 $0x1BFF;
	s21 =	sshll.u32 s6, $0x1;
	s3 =	sadd.s32 s4, s19  }
0x9c: {  	s7 =	simm.s32 $0x0;
	s20 =	sshll.u32 s5, $0x1;
	s5 =	sadd.s32 s21, s3  }
0x9d: {  	[timem:s7], [sflag:s22] =	dma.local [hbm:s5], s20  }
0x9e: {  	_ =	swait.ge [sflag:s22], s20  }
0x9f: {  	s4 =	ssub.s32 $0x0, s20;
	[sflag:s22] =	ssyncset.done $0x0  }
0xa0: {  	[sflag:s22] =	ssyncadd.s32 s4;
	_ =	sdelay $0x1  }
0xa1: {  	s23 =	simm.s32 $0x1B8B  }
0xa2: {  	_ =	swait.ge [sflag:s23], $0x1  }
0xa3: {  	[sflag:s23] =	ssyncset.done $0x0  }
0xa4: {  	s25 =	simm.s32 $0x1B8E;
	s24 =	sld [smem:$0x3FFE];
	[sflag:s23] =	ssyncadd.s32 $0xFFFFFFFF  }
0xa5: {  	s26 =	simm.s32 $execute0_lowered;
	[smem:$0x3FD2] =	sst s25  }
0xa6: {  	s5 =	sshll.u32 s26, $0x1;
	_ =	strace $0x80000046;
	[dreg:$0x1] =	wrdreg $0xFFFFFFFF  }
0xa7: {  	s28 =	simm.s32 $_size_execute0_lowered;
	s3 =	sadd.s32 s3, s5;
	[dreg:$0x0] =	wrdreg $0x0  }
0xa8: {  	s5 =	sshll.u32 s28, $0x1;
	[dreg:$0x2] =	wrdreg s3  }
0xa9: {  	[dreg:$0x3] =	wrdreg s5  }
0xaa: {  	[dreg:$0x4] =	wrdreg $0xC0  }
0xab: {  	_ =	task [dreg:s7], $0x5FFFF  }
0xac: {  	[dreg:$0x1] =	wrdreg $0xFFFFFFFF  }
0xad: {  	[dreg:$0x0] =	wrdreg $0x60  }
0xae: {  	[dreg:$0x2] =	wrdreg s24  }
0xaf: {  	[dreg:$0x3] =	wrdreg s2  }
0xb0: {  	[dreg:$0x4] =	wrdreg $0x31000  }
0xb1: {  	[dreg:$0x5] =	wrdreg $0x59000  }
0xb2: {  	[dreg:$0x6] =	wrdreg $0x9  }
0xb3: {  	_ =	task.clear_ibuf [dreg:s7], $0x7FFFF;
	_ =	strace $0x90000046  }
0xb4: {  	s29 =	simm.s32 $0x9;
	_ =	strace $0x80000048  }
0xb5: {  	_ =	swait.ge [sflag:s29], $0x1  }
0xb6: {  	[sflag:s29] =	ssyncadd.s32 $0xFFFFFFFF  }
0xb7: {  	_ =	strace $0x90000048  }
0xb8: {  	_ =	sfence  }
0xb9: {  	s30 =	sld [smem:$0x0];
	_ =	sdelay $0x2  }
0xba: {  	s31 =	sshll.u32 s1, $0xD;
	s1 =	sshrl.u32 s1, $0x2  }
0xbb: {  	s3 =	sand.u32 $0x4000, s31;
	s1 =	sadd.s32 s1, s30  }
0xbc: {  	s0 =	sor.u32 s3, s0;
	s1 =	sshll.u32 s1, $0x11  }
0xbd: {  	s0 =	sor.u32 s1, s0  }
0xbe: {  	s0 =	sadd.s32 $0x8F2B, s0  }
0xbf: {  	[sflag:s0] =	ssyncadd.remote.s32 $0x1  }
0xc0: {  	_ =	sfence.sel $0xFFFF  }
0xc1: {  	[dreg:$0x0] =	wrdreg $0xFFFFFFFF;
	(pc) =	sbr.abs _section_cstart, $3  }
0xc2: {  	[dreg:$0x1] =	wrdreg $0xFFFFFFFF  }
0xc3: {  	_ =	task.clear_ibuf [dreg:s7], $0x2FFFF;
	_ =	strace $0x9FFFFFFF  }
0xc4: {  	(tm) =	ssettm $0x7FFFFFFF  }
0xc5: {  	_ =	shalt  }
tec
execute0_lowered:
.L_overlay_start_1:
0x0: {  	(tag) =	ssettag $0x1  }
0x1: {  	s7 =	rddreg [dreg:$0x0]  }
0x2: {  	s9 =	rddreg [dreg:$0x1]  }
0x3: {  	s2 =	rddreg [dreg:$0x2]  }
0x4: {  	s0 =	srdreg.scid;
	s3 =	rddreg [dreg:$0x3]  }
0x5: {  	s1 =	rddreg [dreg:$0x4];
	s4 =	simm.s32 $0x0;
	s5 =	sand.u32 $0x1, s0  }
0x6: {  	s15 =	simm.s32 $0x1;
	s0 =	stileid.u32;
	s6 =	smul.u32 $0x27800, s5  }
0x7: {  	s16 =	simm.s32 $0x100;
	s17 =	simm.s32 $0x80;
	s8 =	smul.u32 $0x2780, s0  }
0x8: {  	s18 =	simm.s32 $0x0;
	[smem:$0x7FF] =	sst s4;
	s10 =	smul.u32 $0x2800, s0  }
0x9: {  	s29 =	smul.u32 $0x28000, s5;
	_ =	strace $0x80000047;
	s31 =	ssub.s32 $0x2, s5  }
0xa: {  	s5 =	sadd.s32 $0x16200, s7;
	s12 =	sshrl.u32 s31, $0x1;
	s6 =	sadd.s32 s8, s6  }
0xb: {  	s30 =	sadd.s32 s10, s29;
	s12 =	ssub.s32 s31, s12;
	s6 =	sshrl.u32 s6, $0x3  }
0xc: {  	s8 =	sadd.s32 s10, s3;
	s11 =	sshrl.u32 s30, $0x3;
	s13 =	sadd.s32 s6, s7  }
0xd: {  	s6 =	sadd.s32 $0x16400, s7;
	s14 =	sadd.s32 s11, s7;
	s7 =	sadd.s32 s10, s2  }
0xe: {  	s9 =	sadd.s32 s9, s11;
	s11 =	smax.u32 s12, $0x1;
	s10 =	sadd.s32 $0x16A00, s14  }
0xf: {  	s12 =	sadd.s32 $0x2600, s13;
	s13 =	sadd.s32 $0xC400, s13;
	s14 =	simm.s32 $0x900  }
.LBB2_1:
0x10: {  	[tilespmem:s14], [sflag:$0x1] =	stream.linear.gather [hbm4b:s6+s4], $0x2800, $0x38;
	[tilespmem:$0x8100] =	vst v63  }
0x11: {  	_ =	swait.ge [sflag:s15], $0x2800  }
0x12: {  	[sflag:s15] =	ssyncset.done $0x0  }
0x13: {  	[sflag:s15] =	ssyncadd.s32 $0xFFFFD800  }
0x14: {  	[spmem:s7] =	stream.linear.scatter [tilespmem:s14], [sflag:$0x1], $0x2800, $0x38;
	[tilespmem:$0x8100] =	vst v63  }
0x15: {  	_ =	swait.ge [sflag:s15], $0x2800  }
0x16: {  	[sflag:s15] =	ssyncset.done $0x0  }
0x17: {  	[sflag:s15] =	ssyncadd.s32 $0xFFFFD800  }
0x18: {  	[spmem:s8] =	stream.linear.scatter [tilespmem:s14], [sflag:$0x1], $0x2800, $0x38;
	[tilespmem:$0x8100] =	vst v63  }
0x19: {  	_ =	swait.ge [sflag:s15], $0x2800  }
0x1a: {  	[sflag:s15] =	ssyncset.done $0x0  }
0x1b: {  	[sflag:s15] =	ssyncadd.s32 $0xFFFFD800  }
0x1c: {  	[tilespmem:s16], [sflag:$0x1] =	stream.linear.gather [hbm4b:s5+s4], $0x800, $0x38;
	[tilespmem:$0x8100] =	vst v63  }
0x1d: {  	_ =	swait.ge [sflag:s15], $0x800  }
0x1e: {  	[sflag:s15] =	ssyncset.done $0x0  }
0x1f: {  	[sflag:s15] =	ssyncadd.s32 $0xFFFFF800  }
0x20: {  	s19 =	sadd.s32 $0x0, s13;
	[bflag:$0x0] =	sbarrier.arrive $0xFFFF  }
0x21: {  	[tilespmem:s4], [sflag:$0x1] =	stream.linear.gather [hbm4b:s19+s4], $0x80, $0x38;
	[tilespmem:$0x8100] =	vst v63  }
0x22: {  	_ =	swait.ge [sflag:s15], $0x80  }
0x23: {  	[sflag:s15] =	ssyncset.done $0x0  }
0x24: {  	s31 =	sadd.s32 $0x0, s12;
	[sflag:s15] =	ssyncadd.s32 $0xFFFFFF80  }
0x25: {  	[tilespmem:s17], [sflag:$0x1] =	stream.linear.gather [hbm4b:s31+s4], $0x80, $0x38;
	[tilespmem:$0x8100] =	vst v63  }
0x26: {  	_ =	swait.ge [sflag:s15], $0x80  }
0x27: {  	[sflag:s15] =	ssyncset.done $0x0  }
0x28: {  	[sflag:s15] =	ssyncadd.s32 $0xFFFFFF80  }
0x29: {  	[spmem:s2] =	stream.indirect.scatter.add.f32 [tilespmem:s16], [sflag:$0x1], $0x10, s4, s17, $0xb8;
	[tilespmem:$0x8100] =	vst v63  }
0x2a: {  	_ =	swait.ge [sflag:s15], $0x800  }
0x2b: {  	[sflag:s15] =	ssyncset.done $0x0  }
0x2c: {  	[sflag:s15] =	ssyncadd.s32 $0xFFFFF800  }
0x2d: {  	[spmem:s3] =	stream.indirect.scatter.add.f32 [tilespmem:s16], [sflag:$0x1], $0x10, s17, s17, $0xb8;
	[tilespmem:$0x8100] =	vst v63  }
0x2e: {  	_ =	swait.ge [sflag:s15], $0x800  }
0x2f: {  	s20 =	simm.s32 $0x20;
	s19 =	simm.s32 $0x10;
	[sflag:s15] =	ssyncset.done $0x0  }
.LBB2_2:
0x30: {  	s21 =	sadd.s32 s19, s13  }
0x31: {  	[sflag:s15] =	ssyncadd.s32 $0xFFFFF800;
	s22 =	smov.u32 s20;
	s23 =	sadd.s32 $0x10, s20  }
0x32: {  	[tilespmem:s4], [sflag:$0x1] =	stream.linear.gather [hbm4b:s21+s4], $0x80, $0x38;
	[tilespmem:$0x8100] =	vst v63  }
0x33: {  	p0 =	sne.s32 s20, $0x4E0;
	_ =	swait.ge [sflag:s15], $0x80  }
0x34: {  	[sflag:s15] =	ssyncset.done $0x0  }
0x35: {  	s20 =	sadd.s32 s19, s12;
	s19 =	smov.u32 s22;
	[sflag:s15] =	ssyncadd.s32 $0xFFFFFF80  }
0x36: {  	[tilespmem:s17], [sflag:$0x1] =	stream.linear.gather [hbm4b:s20+s4], $0x80, $0x38;
	[tilespmem:$0x8100] =	vst v63  }
0x37: {  	_ =	swait.ge [sflag:s15], $0x80  }
0x38: {  	[sflag:s15] =	ssyncset.done $0x0  }
0x39: {  	[sflag:s15] =	ssyncadd.s32 $0xFFFFFF80  }
0x3a: {  	[spmem:s2] =	stream.indirect.scatter.add.f32 [tilespmem:s16], [sflag:$0x1], $0x10, s4, s17, $0xb8;
	[tilespmem:$0x8100] =	vst v63  }
0x3b: {  	_ =	swait.ge [sflag:s15], $0x800  }
.Ltmp0:
0x3c: {  	[sflag:s15] =	ssyncset.done $0x0;
	(pc) =	sbr.rel @p0 .LBB2_2-.Ltmp0, $4  }
0x3d: {  	[sflag:s15] =	ssyncadd.s32 $0xFFFFF800  }
0x3e: {  	[spmem:s3] =	stream.indirect.scatter.add.f32 [tilespmem:s16], [sflag:$0x1], $0x10, s17, s17, $0xb8;
	[tilespmem:$0x8100] =	vst v63  }
0x3f: {  	_ =	swait.ge [sflag:s15], $0x800  }
0x40: {  	s20 =	smov.u32 s23;
	[sflag:s15] =	ssyncset.done $0x0  }
0x41: {  	s20 =	sadd.s32 s19, s13;
	[sflag:s15] =	ssyncadd.s32 $0xFFFFF800  }
0x42: {  	[tilespmem:s4], [sflag:$0x1] =	stream.linear.gather [hbm4b:s20+s4], $0x80, $0x38;
	[tilespmem:$0x8100] =	vst v63  }
0x43: {  	_ =	swait.ge [sflag:s15], $0x80  }
0x44: {  	[sflag:s15] =	ssyncset.done $0x0  }
0x45: {  	s31 =	sadd.s32 s19, s12;
	[sflag:s15] =	ssyncadd.s32 $0xFFFFFF80  }
0x46: {  	[tilespmem:s17], [sflag:$0x1] =	stream.linear.gather [hbm4b:s31+s4], $0x80, $0x38;
	[tilespmem:$0x8100] =	vst v63  }
0x47: {  	_ =	swait.ge [sflag:s15], $0x80  }
0x48: {  	[sflag:s15] =	ssyncset.done $0x0  }
0x49: {  	[sflag:s15] =	ssyncadd.s32 $0xFFFFFF80  }
0x4a: {  	[spmem:s2] =	stream.indirect.scatter.add.f32 [tilespmem:s16], [sflag:$0x1], $0x10, s4, s17, $0xb8;
	[tilespmem:$0x8100] =	vst v63  }
0x4b: {  	_ =	swait.ge [sflag:s15], $0x800  }
0x4c: {  	[sflag:s15] =	ssyncset.done $0x0  }
0x4d: {  	[sflag:s15] =	ssyncadd.s32 $0xFFFFF800  }
0x4e: {  	[spmem:s3] =	stream.indirect.scatter.add.f32 [tilespmem:s16], [sflag:$0x1], $0x10, s17, s17, $0xb8;
	[tilespmem:$0x8100] =	vst v63  }
0x4f: {  	_ =	swait.ge [sflag:s15], $0x800  }
0x50: {  	[sflag:s15] =	ssyncset.done $0x0  }
0x51: {  	[sflag:s15] =	ssyncadd.s32 $0xFFFFF800  }
0x52: {  	[bflag:$0x0] =	sbarrier.arrive $0xFFFF  }
0x53: {  	[tilespmem:s14], [sflag:$0x1] =	stream.linear.gather [spmem:s7], $0x2800, $0x38;
	[tilespmem:$0x8100] =	vst v63  }
0x54: {  	_ =	swait.ge [sflag:s15], $0x2800  }
0x55: {  	[sflag:s15] =	ssyncset.done $0x0  }
0x56: {  	[sflag:s15] =	ssyncadd.s32 $0xFFFFD800  }
0x57: {  	[hbm4b:s9+s4] =	stream.linear.scatter [tilespmem:s14], [sflag:$0x1], $0x2800, $0x38;
	[tilespmem:$0x8100] =	vst v63  }
0x58: {  	_ =	swait.ge [sflag:s15], $0x2800  }
0x59: {  	[sflag:s15] =	ssyncset.done $0x0  }
0x5a: {  	[sflag:s15] =	ssyncadd.s32 $0xFFFFD800  }
0x5b: {  	[tilespmem:s14], [sflag:$0x1] =	stream.linear.gather [spmem:s8], $0x2800, $0x38;
	[tilespmem:$0x8100] =	vst v63  }
0x5c: {  	s18 =	sadd.s32 $0x1, s18;
	_ =	swait.ge [sflag:s15], $0x2800  }
0x5d: {  	p0 =	sne.s32 s18, s11;
	[sflag:s15] =	ssyncset.done $0x0  }
.Ltmp1:
0x5e: {  	[sflag:s15] =	ssyncadd.s32 $0xFFFFD800;
	(pc) =	sbr.rel @p0 .LBB2_1-.Ltmp1, $4  }
0x5f: {  	[hbm4b:s10+s4] =	stream.linear.scatter [tilespmem:s14], [sflag:$0x1], $0x2800, $0x38;
	[tilespmem:$0x8100] =	vst v63  }
0x60: {  	_ =	swait.ge [sflag:s15], $0x2800  }
0x61: {  	[sflag:s15] =	ssyncset.done $0x0  }
0x62: {  	[sflag:s15] =	ssyncadd.s32 $0xFFFFD800  }
0x63: {  	_ =	sfence.sel $0x180000  }
0x64: {  	[bflag:$0x0] =	sbarrier.arrive $0xFFFF  }
0x65: {  	p0 =	sne.s32 s0, $0x0;
	_ =	strace $0x90000047  }
0x66: {  	s0 =	sadd.s32 @!p0 $0x100000, s1;
	[bflag:$0x2] =	sbarrier.arrive $0xFFFF  }
0x67: {  	[sflag:s0] =	ssyncadd.tile.s32 @!p0 $0x1;
	_ =	shalt  }
.Lfunc_end2:
_tile_overlayer_lowered:
.L_overlay_start_2:
0x68: {  	(tag) =	ssettag $0x2  }
0x69: {  	s0 =	rddreg [dreg:$0x0];
	s2 =	stileid.u32  }
0x6a: {  	s1 =	rddreg [dreg:$0x1];
	p0 =	sne.s32 s2, $0x0  }
0x6b: {  	s3 =	rddreg [dreg:$0x2];
	[bflag:$0x3] =	sbarrier.arrive $0xFFFF;
	s2 =	simm.s32 @!p0 $0x1C01  }
0x6c: {  	[timem:s3], [sflag:s2] =	dma.local @!p0 [hbm:s0], s1  }
0x6d: {  	s0 =	simm.s32 @!p0 $0x1  }
0x6e: {  	_ =	swait.ge @!p0 [sflag:s0], s1  }
0x6f: {  	s1 =	ssub.s32 @!p0 $0x0, s1;
	[sflag:s0] =	ssyncset.done @!p0 $0x0  }
0x70: {  	[sflag:s0] =	ssyncadd.s32 @!p0 s1  }
0x71: {  	[bflag:$0x3] =	sbarrier.arrive $0xFFFF  }
0x72: {  	_ =	shalt  }

</sc_bundles>
